<compile_context>
chip_gen: v7x
topology: tpu7x:2x2x1
jax: 0.10.2.dev20260603
libtpu: 0.0.44.dev20260713+nightly
codegen_flags: <defaults>
</compile_context>

<pallas_src>
import functools

import jax
import jax.numpy as jnp
from jax import lax
from jax.experimental import pallas as pl
from jax.experimental.pallas import tpu as pltpu
from jax.experimental.pallas import tpu_sc as plsc

N_SKILLS = 64
BATCH = 16384

_NC = 2
_NS = 16
_L = 16
_NW = _NC * _NS
_BW = BATCH // _NW

_mesh = plsc.VectorSubcoreMesh(core_axis_name="c", subcore_axis_name="s")


@functools.partial(
    pl.kernel,
    mesh=_mesh,
    out_type=jax.ShapeDtypeStruct((N_SKILLS, BATCH), jnp.float32),
    scratch_types=[
        pltpu.VMEM((_BW,), jnp.int32),
        pltpu.VMEM((N_SKILLS, _BW), jnp.float32),
    ],
)
def _sc_onehot(ids_hbm, out_hbm, idx_v, rows_v):
    wid = lax.axis_index("s") * _NC + lax.axis_index("c")
    base = wid * _BW
    pltpu.sync_copy(ids_hbm.at[pl.ds(base, _BW)], idx_v)

    one16 = jnp.ones((_L,), jnp.float32)
    zero16 = jnp.zeros((_L,), jnp.float32)

    def _fill_chunk(k, carry):
        ids16 = idx_v[pl.ds(k * _L, _L)]
        for j in range(N_SKILLS):
            rows_v[j, pl.ds(k * _L, _L)] = jnp.where(ids16 == j, one16, zero16)
        return carry

    lax.fori_loop(0, _BW // _L, _fill_chunk, 0)

    pltpu.sync_copy(rows_v, out_hbm.at[:, pl.ds(base, _BW)])


def kernel(task_ids):
    out = _sc_onehot(task_ids.astype(jnp.int32))
    return jnp.transpose(out, (1, 0))[:, None, :]

# --- scband reference (transcript-rebuilt; emitter-appended) ---
"""Pipeline reference for scband-private-selector-24661702213925 (READ-ONLY COPY).

The authoritative reference and input builder live on the scoring server;
editing this copy changes nothing except your own understanding.
"""

import jax, jax.numpy as jnp
import numpy as np

N_SKILLS = 64
BATCH = 16384

def setup_inputs(seed: int = 0) -> dict:
    key = jax.random.key(seed)
    task_ids = jax.random.randint(key, (BATCH,), 0, N_SKILLS)
    return {"task_ids": task_ids}

def reference(task_ids):
    # F.one_hot(task_ids, num_classes=n_skills).unsqueeze(1)
    out = jax.nn.one_hot(task_ids, N_SKILLS, dtype=jnp.float32)
    return out[:, None, :]

if __name__ == "__main__":
    import jax
    _d = setup_inputs()
    print(jax.jit(kernel)(*tuple(_d.values())))

</pallas_src>

<mosaic_0001>
#map = affine_map<(d0, d1) -> (0)>
#map1 = affine_map<(d0, d1) -> (0, 0)>
module attributes {stable_mosaic.version = 14 : i64} {
  func.func @_sc_onehot(%arg0: i32, %arg1: i32, %arg2: memref<16384xi32, #tpu.memory_space<hbm>>, %arg3: memref<64x16384xf32, #tpu.memory_space<hbm>>, %arg4: memref<512xi32, #tpu.memory_space<vmem>>, %arg5: memref<64x512xf32, #tpu.memory_space<vmem>>) attributes {dimension_semantics = [#tpu.dimension_semantics<core_parallel>, #tpu.dimension_semantics<subcore_parallel>], iteration_bounds = array<i64: 2, 16>, scalar_prefetch = 0 : i64, scratch_operands = 2 : i64, tpu.core_type = #tpu.core_type<sc_vector_subcore>, window_params = [{transform_indices = #map}, {transform_indices = #map1}]} {
    %mul3A = arith.constant 2 : i32
    %mul3A_0 = arith.muli %arg1, %mul3A : i32
    %add3A = arith.addi %mul3A_0, %arg0 : i32
    %mul3A_1 = arith.constant 512 : i32
    %mul3A_2 = arith.muli %add3A, %mul3A_1 : i32
    "tpu.region"() ({
      %run_scoped3A = tpu.sem_alloc : memref<!tpu.dma_semaphore, #tpu.memory_space<semaphore_mem>>
      %dma_start3A = tpu.memref_slice %arg2[%mul3A_2] : memref<16384xi32, #tpu.memory_space<hbm>> -> memref<512xi32, #tpu.memory_space<hbm>>
      %dma_start3A_11 = tpu.memref_slice %arg2[%mul3A_2] : memref<16384xi32, #tpu.memory_space<hbm>> -> memref<512xi32, #tpu.memory_space<hbm>>
      tpu.enqueue_dma source(%dma_start3A_11 : memref<512xi32, #tpu.memory_space<hbm>>) target(%arg4 : memref<512xi32, #tpu.memory_space<vmem>>) target_semaphore(%run_scoped3A : memref<!tpu.dma_semaphore, #tpu.memory_space<semaphore_mem>>)
      %dma_wait3A = tpu.memref_slice %arg2[%mul3A_2] : memref<16384xi32, #tpu.memory_space<hbm>> -> memref<512xi32, #tpu.memory_space<hbm>>
      %dma_wait3A_12 = tpu.memref_slice %arg2[%mul3A_2] : memref<16384xi32, #tpu.memory_space<hbm>> -> memref<512xi32, #tpu.memory_space<hbm>>
      tpu.wait_dma2 semaphore(%run_scoped3A : memref<!tpu.dma_semaphore, #tpu.memory_space<semaphore_mem>>) src(%dma_wait3A_12 : memref<512xi32, #tpu.memory_space<hbm>>) dst(%arg4 : memref<512xi32, #tpu.memory_space<vmem>>)
      tpu.yield
    }) : () -> ()
    %broadcast_in_dim3A = arith.constant 1.000000e+00 : f32
    %broadcast_in_dim3A_3 = vector.broadcast %broadcast_in_dim3A : f32 to vector<16xf32>
    %broadcast_in_dim3A_4 = arith.constant 0.000000e+00 : f32
    %broadcast_in_dim3A_5 = vector.broadcast %broadcast_in_dim3A_4 : f32 to vector<16xf32>
    %scan3A = arith.constant 0 : i32
    %scan3A_6 = arith.constant 0 : i32
    %scan3A_7 = arith.constant 32 : i32
    %scan3A_8 = arith.addi %scan3A_6, %scan3A_7 : i32
    %scan3A_9 = arith.constant 1 : i32
    scf.for %scan3A_11 = %scan3A_6 to %scan3A_8 step %scan3A_9  : i32 {
      %mul3A_12 = arith.constant 16 : i32
      %mul3A_13 = arith.muli %scan3A_11, %mul3A_12 : i32
      %get3A = arith.index_cast %mul3A_13 : i32 to index
      %get3A_14 = tpu.vector_load %arg4[%get3A] {strides = array<i32>} : memref<512xi32, #tpu.memory_space<vmem>>, vector<16xi32>,
      %get3A_15 = vector.shape_cast %get3A_14 : vector<16xi32> to vector<16xi32>
      %eq3A = arith.constant 0 : i32
      %eq3A_16 = vector.broadcast %eq3A : i32 to vector<16xi32>
      %eq3A_17 = arith.cmpi eq, %get3A_15, %eq3A_16 : vector<16xi32>
      %select_n3A = arith.select %eq3A_17, %broadcast_in_dim3A_3, %broadcast_in_dim3A_5 : vector<16xi1>, vector<16xf32>
      %mul3A_18 = arith.constant 16 : i32
      %mul3A_19 = arith.muli %scan3A_11, %mul3A_18 : i32
      %swap3A = arith.constant 0 : i32
      %swap3A_20 = arith.index_cast %swap3A : i32 to index
      %swap3A_21 = arith.index_cast %mul3A_19 : i32 to index
      %swap3A_22 = tpu.vector_load %arg5[%swap3A_20, %swap3A_21] {strides = array<i32>} : memref<64x512xf32, #tpu.memory_space<vmem>>, vector<1x16xf32>,
      %swap3A_23 = vector.shape_cast %swap3A_22 : vector<1x16xf32> to vector<16xf32>
      %swap3A_24 = vector.shape_cast %select_n3A : vector<16xf32> to vector<1x16xf32>
      tpu.vector_store %arg5[%swap3A_20, %swap3A_21], %swap3A_24 {strides = array<i32>} : memref<64x512xf32, #tpu.memory_space<vmem>>, vector<1x16xf32>,
      %eq3A_25 = arith.constant 1 : i32
      %eq3A_26 = vector.broadcast %eq3A_25 : i32 to vector<16xi32>
      %eq3A_27 = arith.cmpi eq, %get3A_15, %eq3A_26 : vector<16xi32>
      %select_n3A_28 = arith.select %eq3A_27, %broadcast_in_dim3A_3, %broadcast_in_dim3A_5 : vector<16xi1>, vector<16xf32>
      %mul3A_29 = arith.constant 16 : i32
      %mul3A_30 = arith.muli %scan3A_11, %mul3A_29 : i32
      %swap3A_31 = arith.constant 1 : i32
      %swap3A_32 = arith.index_cast %swap3A_31 : i32 to index
      %swap3A_33 = arith.index_cast %mul3A_30 : i32 to index
      %swap3A_34 = tpu.vector_load %arg5[%swap3A_32, %swap3A_33] {strides = array<i32>} : memref<64x512xf32, #tpu.memory_space<vmem>>, vector<1x16xf32>,
      %swap3A_35 = vector.shape_cast %swap3A_34 : vector<1x16xf32> to vector<16xf32>
      %swap3A_36 = vector.shape_cast %select_n3A_28 : vector<16xf32> to vector<1x16xf32>
      tpu.vector_store %arg5[%swap3A_32, %swap3A_33], %swap3A_36 {strides = array<i32>} : memref<64x512xf32, #tpu.memory_space<vmem>>, vector<1x16xf32>,
      %eq3A_37 = arith.constant 2 : i32
      %eq3A_38 = vector.broadcast %eq3A_37 : i32 to vector<16xi32>
      %eq3A_39 = arith.cmpi eq, %get3A_15, %eq3A_38 : vector<16xi32>
      %select_n3A_40 = arith.select %eq3A_39, %broadcast_in_dim3A_3, %broadcast_in_dim3A_5 : vector<16xi1>, vector<16xf32>
      %mul3A_41 = arith.constant 16 : i32
      %mul3A_42 = arith.muli %scan3A_11, %mul3A_41 : i32
      %swap3A_43 = arith.constant 2 : i32
      %swap3A_44 = arith.index_cast %swap3A_43 : i32 to index
      %swap3A_45 = arith.index_cast %mul3A_42 : i32 to index
      %swap3A_46 = tpu.vector_load %arg5[%swap3A_44, %swap3A_45] {strides = array<i32>} : memref<64x512xf32, #tpu.memory_space<vmem>>, vector<1x16xf32>,
      %swap3A_47 = vector.shape_cast %swap3A_46 : vector<1x16xf32> to vector<16xf32>
      %swap3A_48 = vector.shape_cast %select_n3A_40 : vector<16xf32> to vector<1x16xf32>
      tpu.vector_store %arg5[%swap3A_44, %swap3A_45], %swap3A_48 {strides = array<i32>} : memref<64x512xf32, #tpu.memory_space<vmem>>, vector<1x16xf32>,
      %eq3A_49 = arith.constant 3 : i32
      %eq3A_50 = vector.broadcast %eq3A_49 : i32 to vector<16xi32>
      %eq3A_51 = arith.cmpi eq, %get3A_15, %eq3A_50 : vector<16xi32>
      %select_n3A_52 = arith.select %eq3A_51, %broadcast_in_dim3A_3, %broadcast_in_dim3A_5 : vector<16xi1>, vector<16xf32>
      %mul3A_53 = arith.constant 16 : i32
      %mul3A_54 = arith.muli %scan3A_11, %mul3A_53 : i32
      %swap3A_55 = arith.constant 3 : i32
      %swap3A_56 = arith.index_cast %swap3A_55 : i32 to index
      %swap3A_57 = arith.index_cast %mul3A_54 : i32 to index
      %swap3A_58 = tpu.vector_load %arg5[%swap3A_56, %swap3A_57] {strides = array<i32>} : memref<64x512xf32, #tpu.memory_space<vmem>>, vector<1x16xf32>,
      %swap3A_59 = vector.shape_cast %swap3A_58 : vector<1x16xf32> to vector<16xf32>
      %swap3A_60 = vector.shape_cast %select_n3A_52 : vector<16xf32> to vector<1x16xf32>
      tpu.vector_store %arg5[%swap3A_56, %swap3A_57], %swap3A_60 {strides = array<i32>} : memref<64x512xf32, #tpu.memory_space<vmem>>, vector<1x16xf32>,
      %eq3A_61 = arith.constant 4 : i32
      %eq3A_62 = vector.broadcast %eq3A_61 : i32 to vector<16xi32>
      %eq3A_63 = arith.cmpi eq, %get3A_15, %eq3A_62 : vector<16xi32>
      %select_n3A_64 = arith.select %eq3A_63, %broadcast_in_dim3A_3, %broadcast_in_dim3A_5 : vector<16xi1>, vector<16xf32>
      %mul3A_65 = arith.constant 16 : i32
      %mul3A_66 = arith.muli %scan3A_11, %mul3A_65 : i32
      %swap3A_67 = arith.constant 4 : i32
      %swap3A_68 = arith.index_cast %swap3A_67 : i32 to index
      %swap3A_69 = arith.index_cast %mul3A_66 : i32 to index
      %swap3A_70 = tpu.vector_load %arg5[%swap3A_68, %swap3A_69] {strides = array<i32>} : memref<64x512xf32, #tpu.memory_space<vmem>>, vector<1x16xf32>,
      %swap3A_71 = vector.shape_cast %swap3A_70 : vector<1x16xf32> to vector<16xf32>
      %swap3A_72 = vector.shape_cast %select_n3A_64 : vector<16xf32> to vector<1x16xf32>
      tpu.vector_store %arg5[%swap3A_68, %swap3A_69], %swap3A_72 {strides = array<i32>} : memref<64x512xf32, #tpu.memory_space<vmem>>, vector<1x16xf32>,
      %eq3A_73 = arith.constant 5 : i32
      %eq3A_74 = vector.broadcast %eq3A_73 : i32 to vector<16xi32>
      %eq3A_75 = arith.cmpi eq, %get3A_15, %eq3A_74 : vector<16xi32>
      %select_n3A_76 = arith.select %eq3A_75, %broadcast_in_dim3A_3, %broadcast_in_dim3A_5 : vector<16xi1>, vector<16xf32>
      %mul3A_77 = arith.constant 16 : i32
      %mul3A_78 = arith.muli %scan3A_11, %mul3A_77 : i32
      %swap3A_79 = arith.constant 5 : i32
      %swap3A_80 = arith.index_cast %swap3A_79 : i32 to index
      %swap3A_81 = arith.index_cast %mul3A_78 : i32 to index
      %swap3A_82 = tpu.vector_load %arg5[%swap3A_80, %swap3A_81] {strides = array<i32>} : memref<64x512xf32, #tpu.memory_space<vmem>>, vector<1x16xf32>,
      %swap3A_83 = vector.shape_cast %swap3A_82 : vector<1x16xf32> to vector<16xf32>
      %swap3A_84 = vector.shape_cast %select_n3A_76 : vector<16xf32> to vector<1x16xf32>
      tpu.vector_store %arg5[%swap3A_80, %swap3A_81], %swap3A_84 {strides = array<i32>} : memref<64x512xf32, #tpu.memory_space<vmem>>, vector<1x16xf32>,
      %eq3A_85 = arith.constant 6 : i32
      %eq3A_86 = vector.broadcast %eq3A_85 : i32 to vector<16xi32>
      %eq3A_87 = arith.cmpi eq, %get3A_15, %eq3A_86 : vector<16xi32>
      %select_n3A_88 = arith.select %eq3A_87, %broadcast_in_dim3A_3, %broadcast_in_dim3A_5 : vector<16xi1>, vector<16xf32>
      %mul3A_89 = arith.constant 16 : i32
      %mul3A_90 = arith.muli %scan3A_11, %mul3A_89 : i32
      %swap3A_91 = arith.constant 6 : i32
      %swap3A_92 = arith.index_cast %swap3A_91 : i32 to index
      %swap3A_93 = arith.index_cast %mul3A_90 : i32 to index
      %swap3A_94 = tpu.vector_load %arg5[%swap3A_92, %swap3A_93] {strides = array<i32>} : memref<64x512xf32, #tpu.memory_space<vmem>>, vector<1x16xf32>,
      %swap3A_95 = vector.shape_cast %swap3A_94 : vector<1x16xf32> to vector<16xf32>
      %swap3A_96 = vector.shape_cast %select_n3A_88 : vector<16xf32> to vector<1x16xf32>
      tpu.vector_store %arg5[%swap3A_92, %swap3A_93], %swap3A_96 {strides = array<i32>} : memref<64x512xf32, #tpu.memory_space<vmem>>, vector<1x16xf32>,
      %eq3A_97 = arith.constant 7 : i32
      %eq3A_98 = vector.broadcast %eq3A_97 : i32 to vector<16xi32>
      %eq3A_99 = arith.cmpi eq, %get3A_15, %eq3A_98 : vector<16xi32>
      %select_n3A_100 = arith.select %eq3A_99, %broadcast_in_dim3A_3, %broadcast_in_dim3A_5 : vector<16xi1>, vector<16xf32>
      %mul3A_101 = arith.constant 16 : i32
      %mul3A_102 = arith.muli %scan3A_11, %mul3A_101 : i32
      %swap3A_103 = arith.constant 7 : i32
      %swap3A_104 = arith.index_cast %swap3A_103 : i32 to index
      %swap3A_105 = arith.index_cast %mul3A_102 : i32 to index
      %swap3A_106 = tpu.vector_load %arg5[%swap3A_104, %swap3A_105] {strides = array<i32>} : memref<64x512xf32, #tpu.memory_space<vmem>>, vector<1x16xf32>,
      %swap3A_107 = vector.shape_cast %swap3A_106 : vector<1x16xf32> to vector<16xf32>
      %swap3A_108 = vector.shape_cast %select_n3A_100 : vector<16xf32> to vector<1x16xf32>
      tpu.vector_store %arg5[%swap3A_104, %swap3A_105], %swap3A_108 {strides = array<i32>} : memref<64x512xf32, #tpu.memory_space<vmem>>, vector<1x16xf32>,
      %eq3A_109 = arith.constant 8 : i32
      %eq3A_110 = vector.broadcast %eq3A_109 : i32 to vector<16xi32>
      %eq3A_111 = arith.cmpi eq, %get3A_15, %eq3A_110 : vector<16xi32>
      %select_n3A_112 = arith.select %eq3A_111, %broadcast_in_dim3A_3, %broadcast_in_dim3A_5 : vector<16xi1>, vector<16xf32>
      %mul3A_113 = arith.constant 16 : i32
      %mul3A_114 = arith.muli %scan3A_11, %mul3A_113 : i32
      %swap3A_115 = arith.constant 8 : i32
      %swap3A_116 = arith.index_cast %swap3A_115 : i32 to index
      %swap3A_117 = arith.index_cast %mul3A_114 : i32 to index
      %swap3A_118 = tpu.vector_load %arg5[%swap3A_116, %swap3A_117] {strides = array<i32>} : memref<64x512xf32, #tpu.memory_space<vmem>>, vector<1x16xf32>,
      %swap3A_119 = vector.shape_cast %swap3A_118 : vector<1x16xf32> to vector<16xf32>
      %swap3A_120 = vector.shape_cast %select_n3A_112 : vector<16xf32> to vector<1x16xf32>
      tpu.vector_store %arg5[%swap3A_116, %swap3A_117], %swap3A_120 {strides = array<i32>} : memref<64x512xf32, #tpu.memory_space<vmem>>, vector<1x16xf32>,
      %eq3A_121 = arith.constant 9 : i32
      %eq3A_122 = vector.broadcast %eq3A_121 : i32 to vector<16xi32>
      %eq3A_123 = arith.cmpi eq, %get3A_15, %eq3A_122 : vector<16xi32>
      %select_n3A_124 = arith.select %eq3A_123, %broadcast_in_dim3A_3, %broadcast_in_dim3A_5 : vector<16xi1>, vector<16xf32>
      %mul3A_125 = arith.constant 16 : i32
      %mul3A_126 = arith.muli %scan3A_11, %mul3A_125 : i32
      %swap3A_127 = arith.constant 9 : i32
      %swap3A_128 = arith.index_cast %swap3A_127 : i32 to index
      %swap3A_129 = arith.index_cast %mul3A_126 : i32 to index
      %swap3A_130 = tpu.vector_load %arg5[%swap3A_128, %swap3A_129] {strides = array<i32>} : memref<64x512xf32, #tpu.memory_space<vmem>>, vector<1x16xf32>,
      %swap3A_131 = vector.shape_cast %swap3A_130 : vector<1x16xf32> to vector<16xf32>
      %swap3A_132 = vector.shape_cast %select_n3A_124 : vector<16xf32> to vector<1x16xf32>
      tpu.vector_store %arg5[%swap3A_128, %swap3A_129], %swap3A_132 {strides = array<i32>} : memref<64x512xf32, #tpu.memory_space<vmem>>, vector<1x16xf32>,
      %eq3A_133 = arith.constant 10 : i32
      %eq3A_134 = vector.broadcast %eq3A_133 : i32 to vector<16xi32>
      %eq3A_135 = arith.cmpi eq, %get3A_15, %eq3A_134 : vector<16xi32>
      %select_n3A_136 = arith.select %eq3A_135, %broadcast_in_dim3A_3, %broadcast_in_dim3A_5 : vector<16xi1>, vector<16xf32>
      %mul3A_137 = arith.constant 16 : i32
      %mul3A_138 = arith.muli %scan3A_11, %mul3A_137 : i32
      %swap3A_139 = arith.constant 10 : i32
      %swap3A_140 = arith.index_cast %swap3A_139 : i32 to index
      %swap3A_141 = arith.index_cast %mul3A_138 : i32 to index
      %swap3A_142 = tpu.vector_load %arg5[%swap3A_140, %swap3A_141] {strides = array<i32>} : memref<64x512xf32, #tpu.memory_space<vmem>>, vector<1x16xf32>,
      %swap3A_143 = vector.shape_cast %swap3A_142 : vector<1x16xf32> to vector<16xf32>
      %swap3A_144 = vector.shape_cast %select_n3A_136 : vector<16xf32> to vector<1x16xf32>
      tpu.vector_store %arg5[%swap3A_140, %swap3A_141], %swap3A_144 {strides = array<i32>} : memref<64x512xf32, #tpu.memory_space<vmem>>, vector<1x16xf32>,
      %eq3A_145 = arith.constant 11 : i32
      %eq3A_146 = vector.broadcast %eq3A_145 : i32 to vector<16xi32>
      %eq3A_147 = arith.cmpi eq, %get3A_15, %eq3A_146 : vector<16xi32>
      %select_n3A_148 = arith.select %eq3A_147, %broadcast_in_dim3A_3, %broadcast_in_dim3A_5 : vector<16xi1>, vector<16xf32>
      %mul3A_149 = arith.constant 16 : i32
      %mul3A_150 = arith.muli %scan3A_11, %mul3A_149 : i32
      %swap3A_151 = arith.constant 11 : i32
      %swap3A_152 = arith.index_cast %swap3A_151 : i32 to index
      %swap3A_153 = arith.index_cast %mul3A_150 : i32 to index
      %swap3A_154 = tpu.vector_load %arg5[%swap3A_152, %swap3A_153] {strides = array<i32>} : memref<64x512xf32, #tpu.memory_space<vmem>>, vector<1x16xf32>,
      %swap3A_155 = vector.shape_cast %swap3A_154 : vector<1x16xf32> to vector<16xf32>
      %swap3A_156 = vector.shape_cast %select_n3A_148 : vector<16xf32> to vector<1x16xf32>
      tpu.vector_store %arg5[%swap3A_152, %swap3A_153], %swap3A_156 {strides = array<i32>} : memref<64x512xf32, #tpu.memory_space<vmem>>, vector<1x16xf32>,
      %eq3A_157 = arith.constant 12 : i32
      %eq3A_158 = vector.broadcast %eq3A_157 : i32 to vector<16xi32>
      %eq3A_159 = arith.cmpi eq, %get3A_15, %eq3A_158 : vector<16xi32>
      %select_n3A_160 = arith.select %eq3A_159, %broadcast_in_dim3A_3, %broadcast_in_dim3A_5 : vector<16xi1>, vector<16xf32>
      %mul3A_161 = arith.constant 16 : i32
      %mul3A_162 = arith.muli %scan3A_11, %mul3A_161 : i32
      %swap3A_163 = arith.constant 12 : i32
      %swap3A_164 = arith.index_cast %swap3A_163 : i32 to index
      %swap3A_165 = arith.index_cast %mul3A_162 : i32 to index
      %swap3A_166 = tpu.vector_load %arg5[%swap3A_164, %swap3A_165] {strides = array<i32>} : memref<64x512xf32, #tpu.memory_space<vmem>>, vector<1x16xf32>,
      %swap3A_167 = vector.shape_cast %swap3A_166 : vector<1x16xf32> to vector<16xf32>
      %swap3A_168 = vector.shape_cast %select_n3A_160 : vector<16xf32> to vector<1x16xf32>
      tpu.vector_store %arg5[%swap3A_164, %swap3A_165], %swap3A_168 {strides = array<i32>} : memref<64x512xf32, #tpu.memory_space<vmem>>, vector<1x16xf32>,
      %eq3A_169 = arith.constant 13 : i32
      %eq3A_170 = vector.broadcast %eq3A_169 : i32 to vector<16xi32>
      %eq3A_171 = arith.cmpi eq, %get3A_15, %eq3A_170 : vector<16xi32>
      %select_n3A_172 = arith.select %eq3A_171, %broadcast_in_dim3A_3, %broadcast_in_dim3A_5 : vector<16xi1>, vector<16xf32>
      %mul3A_173 = arith.constant 16 : i32
      %mul3A_174 = arith.muli %scan3A_11, %mul3A_173 : i32
      %swap3A_175 = arith.constant 13 : i32
      %swap3A_176 = arith.index_cast %swap3A_175 : i32 to index
      %swap3A_177 = arith.index_cast %mul3A_174 : i32 to index
      %swap3A_178 = tpu.vector_load %arg5[%swap3A_176, %swap3A_177] {strides = array<i32>} : memref<64x512xf32, #tpu.memory_space<vmem>>, vector<1x16xf32>,
      %swap3A_179 = vector.shape_cast %swap3A_178 : vector<1x16xf32> to vector<16xf32>
      %swap3A_180 = vector.shape_cast %select_n3A_172 : vector<16xf32> to vector<1x16xf32>
      tpu.vector_store %arg5[%swap3A_176, %swap3A_177], %swap3A_180 {strides = array<i32>} : memref<64x512xf32, #tpu.memory_space<vmem>>, vector<1x16xf32>,
      %eq3A_181 = arith.constant 14 : i32
      %eq3A_182 = vector.broadcast %eq3A_181 : i32 to vector<16xi32>
      %eq3A_183 = arith.cmpi eq, %get3A_15, %eq3A_182 : vector<16xi32>
      %select_n3A_184 = arith.select %eq3A_183, %broadcast_in_dim3A_3, %broadcast_in_dim3A_5 : vector<16xi1>, vector<16xf32>
      %mul3A_185 = arith.constant 16 : i32
      %mul3A_186 = arith.muli %scan3A_11, %mul3A_185 : i32
      %swap3A_187 = arith.constant 14 : i32
      %swap3A_188 = arith.index_cast %swap3A_187 : i32 to index
      %swap3A_189 = arith.index_cast %mul3A_186 : i32 to index
      %swap3A_190 = tpu.vector_load %arg5[%swap3A_188, %swap3A_189] {strides = array<i32>} : memref<64x512xf32, #tpu.memory_space<vmem>>, vector<1x16xf32>,
      %swap3A_191 = vector.shape_cast %swap3A_190 : vector<1x16xf32> to vector<16xf32>
      %swap3A_192 = vector.shape_cast %select_n3A_184 : vector<16xf32> to vector<1x16xf32>
      tpu.vector_store %arg5[%swap3A_188, %swap3A_189], %swap3A_192 {strides = array<i32>} : memref<64x512xf32, #tpu.memory_space<vmem>>, vector<1x16xf32>,
      %eq3A_193 = arith.constant 15 : i32
      %eq3A_194 = vector.broadcast %eq3A_193 : i32 to vector<16xi32>
      %eq3A_195 = arith.cmpi eq, %get3A_15, %eq3A_194 : vector<16xi32>
      %select_n3A_196 = arith.select %eq3A_195, %broadcast_in_dim3A_3, %broadcast_in_dim3A_5 : vector<16xi1>, vector<16xf32>
      %mul3A_197 = arith.constant 16 : i32
      %mul3A_198 = arith.muli %scan3A_11, %mul3A_197 : i32
      %swap3A_199 = arith.constant 15 : i32
      %swap3A_200 = arith.index_cast %swap3A_199 : i32 to index
      %swap3A_201 = arith.index_cast %mul3A_198 : i32 to index
      %swap3A_202 = tpu.vector_load %arg5[%swap3A_200, %swap3A_201] {strides = array<i32>} : memref<64x512xf32, #tpu.memory_space<vmem>>, vector<1x16xf32>,
      %swap3A_203 = vector.shape_cast %swap3A_202 : vector<1x16xf32> to vector<16xf32>
      %swap3A_204 = vector.shape_cast %select_n3A_196 : vector<16xf32> to vector<1x16xf32>
      tpu.vector_store %arg5[%swap3A_200, %swap3A_201], %swap3A_204 {strides = array<i32>} : memref<64x512xf32, #tpu.memory_space<vmem>>, vector<1x16xf32>,
      %eq3A_205 = arith.constant 16 : i32
      %eq3A_206 = vector.broadcast %eq3A_205 : i32 to vector<16xi32>
      %eq3A_207 = arith.cmpi eq, %get3A_15, %eq3A_206 : vector<16xi32>
      %select_n3A_208 = arith.select %eq3A_207, %broadcast_in_dim3A_3, %broadcast_in_dim3A_5 : vector<16xi1>, vector<16xf32>
      %mul3A_209 = arith.constant 16 : i32
      %mul3A_210 = arith.muli %scan3A_11, %mul3A_209 : i32
      %swap3A_211 = arith.constant 16 : i32
      %swap3A_212 = arith.index_cast %swap3A_211 : i32 to index
      %swap3A_213 = arith.index_cast %mul3A_210 : i32 to index
      %swap3A_214 = tpu.vector_load %arg5[%swap3A_212, %swap3A_213] {strides = array<i32>} : memref<64x512xf32, #tpu.memory_space<vmem>>, vector<1x16xf32>,
      %swap3A_215 = vector.shape_cast %swap3A_214 : vector<1x16xf32> to vector<16xf32>
      %swap3A_216 = vector.shape_cast %select_n3A_208 : vector<16xf32> to vector<1x16xf32>
      tpu.vector_store %arg5[%swap3A_212, %swap3A_213], %swap3A_216 {strides = array<i32>} : memref<64x512xf32, #tpu.memory_space<vmem>>, vector<1x16xf32>,
      %eq3A_217 = arith.constant 17 : i32
      %eq3A_218 = vector.broadcast %eq3A_217 : i32 to vector<16xi32>
      %eq3A_219 = arith.cmpi eq, %get3A_15, %eq3A_218 : vector<16xi32>
      %select_n3A_220 = arith.select %eq3A_219, %broadcast_in_dim3A_3, %broadcast_in_dim3A_5 : vector<16xi1>, vector<16xf32>
      %mul3A_221 = arith.constant 16 : i32
      %mul3A_222 = arith.muli %scan3A_11, %mul3A_221 : i32
      %swap3A_223 = arith.constant 17 : i32
      %swap3A_224 = arith.index_cast %swap3A_223 : i32 to index
      %swap3A_225 = arith.index_cast %mul3A_222 : i32 to index
      %swap3A_226 = tpu.vector_load %arg5[%swap3A_224, %swap3A_225] {strides = array<i32>} : memref<64x512xf32, #tpu.memory_space<vmem>>, vector<1x16xf32>,
      %swap3A_227 = vector.shape_cast %swap3A_226 : vector<1x16xf32> to vector<16xf32>
      %swap3A_228 = vector.shape_cast %select_n3A_220 : vector<16xf32> to vector<1x16xf32>
      tpu.vector_store %arg5[%swap3A_224, %swap3A_225], %swap3A_228 {strides = array<i32>} : memref<64x512xf32, #tpu.memory_space<vmem>>, vector<1x16xf32>,
      %eq3A_229 = arith.constant 18 : i32
      %eq3A_230 = vector.broadcast %eq3A_229 : i32 to vector<16xi32>
      %eq3A_231 = arith.cmpi eq, %get3A_15, %eq3A_230 : vector<16xi32>
      %select_n3A_232 = arith.select %eq3A_231, %broadcast_in_dim3A_3, %broadcast_in_dim3A_5 : vector<16xi1>, vector<16xf32>
      %mul3A_233 = arith.constant 16 : i32
      %mul3A_234 = arith.muli %scan3A_11, %mul3A_233 : i32
      %swap3A_235 = arith.constant 18 : i32
      %swap3A_236 = arith.index_cast %swap3A_235 : i32 to index
      %swap3A_237 = arith.index_cast %mul3A_234 : i32 to index
      %swap3A_238 = tpu.vector_load %arg5[%swap3A_236, %swap3A_237] {strides = array<i32>} : memref<64x512xf32, #tpu.memory_space<vmem>>, vector<1x16xf32>,
      %swap3A_239 = vector.shape_cast %swap3A_238 : vector<1x16xf32> to vector<16xf32>
      %swap3A_240 = vector.shape_cast %select_n3A_232 : vector<16xf32> to vector<1x16xf32>
      tpu.vector_store %arg5[%swap3A_236, %swap3A_237], %swap3A_240 {strides = array<i32>} : memref<64x512xf32, #tpu.memory_space<vmem>>, vector<1x16xf32>,
      %eq3A_241 = arith.constant 19 : i32
      %eq3A_242 = vector.broadcast %eq3A_241 : i32 to vector<16xi32>
      %eq3A_243 = arith.cmpi eq, %get3A_15, %eq3A_242 : vector<16xi32>
      %select_n3A_244 = arith.select %eq3A_243, %broadcast_in_dim3A_3, %broadcast_in_dim3A_5 : vector<16xi1>, vector<16xf32>
      %mul3A_245 = arith.constant 16 : i32
      %mul3A_246 = arith.muli %scan3A_11, %mul3A_245 : i32
      %swap3A_247 = arith.constant 19 : i32
      %swap3A_248 = arith.index_cast %swap3A_247 : i32 to index
      %swap3A_249 = arith.index_cast %mul3A_246 : i32 to index
      %swap3A_250 = tpu.vector_load %arg5[%swap3A_248, %swap3A_249] {strides = array<i32>} : memref<64x512xf32, #tpu.memory_space<vmem>>, vector<1x16xf32>,
      %swap3A_251 = vector.shape_cast %swap3A_250 : vector<1x16xf32> to vector<16xf32>
      %swap3A_252 = vector.shape_cast %select_n3A_244 : vector<16xf32> to vector<1x16xf32>
      tpu.vector_store %arg5[%swap3A_248, %swap3A_249], %swap3A_252 {strides = array<i32>} : memref<64x512xf32, #tpu.memory_space<vmem>>, vector<1x16xf32>,
      %eq3A_253 = arith.constant 20 : i32
      %eq3A_254 = vector.broadcast %eq3A_253 : i32 to vector<16xi32>
      %eq3A_255 = arith.cmpi eq, %get3A_15, %eq3A_254 : vector<16xi32>
      %select_n3A_256 = arith.select %eq3A_255, %broadcast_in_dim3A_3, %broadcast_in_dim3A_5 : vector<16xi1>, vector<16xf32>
      %mul3A_257 = arith.constant 16 : i32
      %mul3A_258 = arith.muli %scan3A_11, %mul3A_257 : i32
      %swap3A_259 = arith.constant 20 : i32
      %swap3A_260 = arith.index_cast %swap3A_259 : i32 to index
      %swap3A_261 = arith.index_cast %mul3A_258 : i32 to index
      %swap3A_262 = tpu.vector_load %arg5[%swap3A_260, %swap3A_261] {strides = array<i32>} : memref<64x512xf32, #tpu.memory_space<vmem>>, vector<1x16xf32>,
      %swap3A_263 = vector.shape_cast %swap3A_262 : vector<1x16xf32> to vector<16xf32>
      %swap3A_264 = vector.shape_cast %select_n3A_256 : vector<16xf32> to vector<1x16xf32>
      tpu.vector_store %arg5[%swap3A_260, %swap3A_261], %swap3A_264 {strides = array<i32>} : memref<64x512xf32, #tpu.memory_space<vmem>>, vector<1x16xf32>,
      %eq3A_265 = arith.constant 21 : i32
      %eq3A_266 = vector.broadcast %eq3A_265 : i32 to vector<16xi32>
      %eq3A_267 = arith.cmpi eq, %get3A_15, %eq3A_266 : vector<16xi32>
      %select_n3A_268 = arith.select %eq3A_267, %broadcast_in_dim3A_3, %broadcast_in_dim3A_5 : vector<16xi1>, vector<16xf32>
      %mul3A_269 = arith.constant 16 : i32
      %mul3A_270 = arith.muli %scan3A_11, %mul3A_269 : i32
      %swap3A_271 = arith.constant 21 : i32
      %swap3A_272 = arith.index_cast %swap3A_271 : i32 to index
      %swap3A_273 = arith.index_cast %mul3A_270 : i32 to index
      %swap3A_274 = tpu.vector_load %arg5[%swap3A_272, %swap3A_273] {strides = array<i32>} : memref<64x512xf32, #tpu.memory_space<vmem>>, vector<1x16xf32>,
      %swap3A_275 = vector.shape_cast %swap3A_274 : vector<1x16xf32> to vector<16xf32>
      %swap3A_276 = vector.shape_cast %select_n3A_268 : vector<16xf32> to vector<1x16xf32>
      tpu.vector_store %arg5[%swap3A_272, %swap3A_273], %swap3A_276 {strides = array<i32>} : memref<64x512xf32, #tpu.memory_space<vmem>>, vector<1x16xf32>,
      %eq3A_277 = arith.constant 22 : i32
      %eq3A_278 = vector.broadcast %eq3A_277 : i32 to vector<16xi32>
      %eq3A_279 = arith.cmpi eq, %get3A_15, %eq3A_278 : vector<16xi32>
      %select_n3A_280 = arith.select %eq3A_279, %broadcast_in_dim3A_3, %broadcast_in_dim3A_5 : vector<16xi1>, vector<16xf32>
      %mul3A_281 = arith.constant 16 : i32
      %mul3A_282 = arith.muli %scan3A_11, %mul3A_281 : i32
      %swap3A_283 = arith.constant 22 : i32
      %swap3A_284 = arith.index_cast %swap3A_283 : i32 to index
      %swap3A_285 = arith.index_cast %mul3A_282 : i32 to index
      %swap3A_286 = tpu.vector_load %arg5[%swap3A_284, %swap3A_285] {strides = array<i32>} : memref<64x512xf32, #tpu.memory_space<vmem>>, vector<1x16xf32>,
      %swap3A_287 = vector.shape_cast %swap3A_286 : vector<1x16xf32> to vector<16xf32>
      %swap3A_288 = vector.shape_cast %select_n3A_280 : vector<16xf32> to vector<1x16xf32>
      tpu.vector_store %arg5[%swap3A_284, %swap3A_285], %swap3A_288 {strides = array<i32>} : memref<64x512xf32, #tpu.memory_space<vmem>>, vector<1x16xf32>,
      %eq3A_289 = arith.constant 23 : i32
      %eq3A_290 = vector.broadcast %eq3A_289 : i32 to vector<16xi32>
      %eq3A_291 = arith.cmpi eq, %get3A_15, %eq3A_290 : vector<16xi32>
      %select_n3A_292 = arith.select %eq3A_291, %broadcast_in_dim3A_3, %broadcast_in_dim3A_5 : vector<16xi1>, vector<16xf32>
      %mul3A_293 = arith.constant 16 : i32
      %mul3A_294 = arith.muli %scan3A_11, %mul3A_293 : i32
      %swap3A_295 = arith.constant 23 : i32
      %swap3A_296 = arith.index_cast %swap3A_295 : i32 to index
      %swap3A_297 = arith.index_cast %mul3A_294 : i32 to index
      %swap3A_298 = tpu.vector_load %arg5[%swap3A_296, %swap3A_297] {strides = array<i32>} : memref<64x512xf32, #tpu.memory_space<vmem>>, vector<1x16xf32>,
      %swap3A_299 = vector.shape_cast %swap3A_298 : vector<1x16xf32> to vector<16xf32>
      %swap3A_300 = vector.shape_cast %select_n3A_292 : vector<16xf32> to vector<1x16xf32>
      tpu.vector_store %arg5[%swap3A_296, %swap3A_297], %swap3A_300 {strides = array<i32>} : memref<64x512xf32, #tpu.memory_space<vmem>>, vector<1x16xf32>,
      %eq3A_301 = arith.constant 24 : i32
      %eq3A_302 = vector.broadcast %eq3A_301 : i32 to vector<16xi32>
      %eq3A_303 = arith.cmpi eq, %get3A_15, %eq3A_302 : vector<16xi32>
      %select_n3A_304 = arith.select %eq3A_303, %broadcast_in_dim3A_3, %broadcast_in_dim3A_5 : vector<16xi1>, vector<16xf32>
      %mul3A_305 = arith.constant 16 : i32
      %mul3A_306 = arith.muli %scan3A_11, %mul3A_305 : i32
      %swap3A_307 = arith.constant 24 : i32
      %swap3A_308 = arith.index_cast %swap3A_307 : i32 to index
      %swap3A_309 = arith.index_cast %mul3A_306 : i32 to index
      %swap3A_310 = tpu.vector_load %arg5[%swap3A_308, %swap3A_309] {strides = array<i32>} : memref<64x512xf32, #tpu.memory_space<vmem>>, vector<1x16xf32>,
      %swap3A_311 = vector.shape_cast %swap3A_310 : vector<1x16xf32> to vector<16xf32>
      %swap3A_312 = vector.shape_cast %select_n3A_304 : vector<16xf32> to vector<1x16xf32>
      tpu.vector_store %arg5[%swap3A_308, %swap3A_309], %swap3A_312 {strides = array<i32>} : memref<64x512xf32, #tpu.memory_space<vmem>>, vector<1x16xf32>,
      %eq3A_313 = arith.constant 25 : i32
      %eq3A_314 = vector.broadcast %eq3A_313 : i32 to vector<16xi32>
      %eq3A_315 = arith.cmpi eq, %get3A_15, %eq3A_314 : vector<16xi32>
      %select_n3A_316 = arith.select %eq3A_315, %broadcast_in_dim3A_3, %broadcast_in_dim3A_5 : vector<16xi1>, vector<16xf32>
      %mul3A_317 = arith.constant 16 : i32
      %mul3A_318 = arith.muli %scan3A_11, %mul3A_317 : i32
      %swap3A_319 = arith.constant 25 : i32
      %swap3A_320 = arith.index_cast %swap3A_319 : i32 to index
      %swap3A_321 = arith.index_cast %mul3A_318 : i32 to index
      %swap3A_322 = tpu.vector_load %arg5[%swap3A_320, %swap3A_321] {strides = array<i32>} : memref<64x512xf32, #tpu.memory_space<vmem>>, vector<1x16xf32>,
      %swap3A_323 = vector.shape_cast %swap3A_322 : vector<1x16xf32> to vector<16xf32>
      %swap3A_324 = vector.shape_cast %select_n3A_316 : vector<16xf32> to vector<1x16xf32>
      tpu.vector_store %arg5[%swap3A_320, %swap3A_321], %swap3A_324 {strides = array<i32>} : memref<64x512xf32, #tpu.memory_space<vmem>>, vector<1x16xf32>,
      %eq3A_325 = arith.constant 26 : i32
      %eq3A_326 = vector.broadcast %eq3A_325 : i32 to vector<16xi32>
      %eq3A_327 = arith.cmpi eq, %get3A_15, %eq3A_326 : vector<16xi32>
      %select_n3A_328 = arith.select %eq3A_327, %broadcast_in_dim3A_3, %broadcast_in_dim3A_5 : vector<16xi1>, vector<16xf32>
      %mul3A_329 = arith.constant 16 : i32
      %mul3A_330 = arith.muli %scan3A_11, %mul3A_329 : i32
      %swap3A_331 = arith.constant 26 : i32
      %swap3A_332 = arith.index_cast %swap3A_331 : i32 to index
      %swap3A_333 = arith.index_cast %mul3A_330 : i32 to index
      %swap3A_334 = tpu.vector_load %arg5[%swap3A_332, %swap3A_333] {strides = array<i32>} : memref<64x512xf32, #tpu.memory_space<vmem>>, vector<1x16xf32>,
      %swap3A_335 = vector.shape_cast %swap3A_334 : vector<1x16xf32> to vector<16xf32>
      %swap3A_336 = vector.shape_cast %select_n3A_328 : vector<16xf32> to vector<1x16xf32>
      tpu.vector_store %arg5[%swap3A_332, %swap3A_333], %swap3A_336 {strides = array<i32>} : memref<64x512xf32, #tpu.memory_space<vmem>>, vector<1x16xf32>,
      %eq3A_337 = arith.constant 27 : i32
      %eq3A_338 = vector.broadcast %eq3A_337 : i32 to vector<16xi32>
      %eq3A_339 = arith.cmpi eq, %get3A_15, %eq3A_338 : vector<16xi32>
      %select_n3A_340 = arith.select %eq3A_339, %broadcast_in_dim3A_3, %broadcast_in_dim3A_5 : vector<16xi1>, vector<16xf32>
      %mul3A_341 = arith.constant 16 : i32
      %mul3A_342 = arith.muli %scan3A_11, %mul3A_341 : i32
      %swap3A_343 = arith.constant 27 : i32
      %swap3A_344 = arith.index_cast %swap3A_343 : i32 to index
      %swap3A_345 = arith.index_cast %mul3A_342 : i32 to index
      %swap3A_346 = tpu.vector_load %arg5[%swap3A_344, %swap3A_345] {strides = array<i32>} : memref<64x512xf32, #tpu.memory_space<vmem>>, vector<1x16xf32>,
      %swap3A_347 = vector.shape_cast %swap3A_346 : vector<1x16xf32> to vector<16xf32>
      %swap3A_348 = vector.shape_cast %select_n3A_340 : vector<16xf32> to vector<1x16xf32>
      tpu.vector_store %arg5[%swap3A_344, %swap3A_345], %swap3A_348 {strides = array<i32>} : memref<64x512xf32, #tpu.memory_space<vmem>>, vector<1x16xf32>,
      %eq3A_349 = arith.constant 28 : i32
      %eq3A_350 = vector.broadcast %eq3A_349 : i32 to vector<16xi32>
      %eq3A_351 = arith.cmpi eq, %get3A_15, %eq3A_350 : vector<16xi32>
      %select_n3A_352 = arith.select %eq3A_351, %broadcast_in_dim3A_3, %broadcast_in_dim3A_5 : vector<16xi1>, vector<16xf32>
      %mul3A_353 = arith.constant 16 : i32
      %mul3A_354 = arith.muli %scan3A_11, %mul3A_353 : i32
      %swap3A_355 = arith.constant 28 : i32
      %swap3A_356 = arith.index_cast %swap3A_355 : i32 to index
      %swap3A_357 = arith.index_cast %mul3A_354 : i32 to index
      %swap3A_358 = tpu.vector_load %arg5[%swap3A_356, %swap3A_357] {strides = array<i32>} : memref<64x512xf32, #tpu.memory_space<vmem>>, vector<1x16xf32>,
      %swap3A_359 = vector.shape_cast %swap3A_358 : vector<1x16xf32> to vector<16xf32>
      %swap3A_360 = vector.shape_cast %select_n3A_352 : vector<16xf32> to vector<1x16xf32>
      tpu.vector_store %arg5[%swap3A_356, %swap3A_357], %swap3A_360 {strides = array<i32>} : memref<64x512xf32, #tpu.memory_space<vmem>>, vector<1x16xf32>,
      %eq3A_361 = arith.constant 29 : i32
      %eq3A_362 = vector.broadcast %eq3A_361 : i32 to vector<16xi32>
      %eq3A_363 = arith.cmpi eq, %get3A_15, %eq3A_362 : vector<16xi32>
      %select_n3A_364 = arith.select %eq3A_363, %broadcast_in_dim3A_3, %broadcast_in_dim3A_5 : vector<16xi1>, vector<16xf32>
      %mul3A_365 = arith.constant 16 : i32
      %mul3A_366 = arith.muli %scan3A_11, %mul3A_365 : i32
      %swap3A_367 = arith.constant 29 : i32
      %swap3A_368 = arith.index_cast %swap3A_367 : i32 to index
      %swap3A_369 = arith.index_cast %mul3A_366 : i32 to index
      %swap3A_370 = tpu.vector_load %arg5[%swap3A_368, %swap3A_369] {strides = array<i32>} : memref<64x512xf32, #tpu.memory_space<vmem>>, vector<1x16xf32>,
      %swap3A_371 = vector.shape_cast %swap3A_370 : vector<1x16xf32> to vector<16xf32>
      %swap3A_372 = vector.shape_cast %select_n3A_364 : vector<16xf32> to vector<1x16xf32>
      tpu.vector_store %arg5[%swap3A_368, %swap3A_369], %swap3A_372 {strides = array<i32>} : memref<64x512xf32, #tpu.memory_space<vmem>>, vector<1x16xf32>,
      %eq3A_373 = arith.constant 30 : i32
      %eq3A_374 = vector.broadcast %eq3A_373 : i32 to vector<16xi32>
      %eq3A_375 = arith.cmpi eq, %get3A_15, %eq3A_374 : vector<16xi32>
      %select_n3A_376 = arith.select %eq3A_375, %broadcast_in_dim3A_3, %broadcast_in_dim3A_5 : vector<16xi1>, vector<16xf32>
      %mul3A_377 = arith.constant 16 : i32
      %mul3A_378 = arith.muli %scan3A_11, %mul3A_377 : i32
      %swap3A_379 = arith.constant 30 : i32
      %swap3A_380 = arith.index_cast %swap3A_379 : i32 to index
      %swap3A_381 = arith.index_cast %mul3A_378 : i32 to index
      %swap3A_382 = tpu.vector_load %arg5[%swap3A_380, %swap3A_381] {strides = array<i32>} : memref<64x512xf32, #tpu.memory_space<vmem>>, vector<1x16xf32>,
      %swap3A_383 = vector.shape_cast %swap3A_382 : vector<1x16xf32> to vector<16xf32>
      %swap3A_384 = vector.shape_cast %select_n3A_376 : vector<16xf32> to vector<1x16xf32>
      tpu.vector_store %arg5[%swap3A_380, %swap3A_381], %swap3A_384 {strides = array<i32>} : memref<64x512xf32, #tpu.memory_space<vmem>>, vector<1x16xf32>,
      %eq3A_385 = arith.constant 31 : i32
      %eq3A_386 = vector.broadcast %eq3A_385 : i32 to vector<16xi32>
      %eq3A_387 = arith.cmpi eq, %get3A_15, %eq3A_386 : vector<16xi32>
      %select_n3A_388 = arith.select %eq3A_387, %broadcast_in_dim3A_3, %broadcast_in_dim3A_5 : vector<16xi1>, vector<16xf32>
      %mul3A_389 = arith.constant 16 : i32
      %mul3A_390 = arith.muli %scan3A_11, %mul3A_389 : i32
      %swap3A_391 = arith.constant 31 : i32
      %swap3A_392 = arith.index_cast %swap3A_391 : i32 to index
      %swap3A_393 = arith.index_cast %mul3A_390 : i32 to index
      %swap3A_394 = tpu.vector_load %arg5[%swap3A_392, %swap3A_393] {strides = array<i32>} : memref<64x512xf32, #tpu.memory_space<vmem>>, vector<1x16xf32>,
      %swap3A_395 = vector.shape_cast %swap3A_394 : vector<1x16xf32> to vector<16xf32>
      %swap3A_396 = vector.shape_cast %select_n3A_388 : vector<16xf32> to vector<1x16xf32>
      tpu.vector_store %arg5[%swap3A_392, %swap3A_393], %swap3A_396 {strides = array<i32>} : memref<64x512xf32, #tpu.memory_space<vmem>>, vector<1x16xf32>,
      %eq3A_397 = arith.constant 32 : i32
      %eq3A_398 = vector.broadcast %eq3A_397 : i32 to vector<16xi32>
      %eq3A_399 = arith.cmpi eq, %get3A_15, %eq3A_398 : vector<16xi32>
      %select_n3A_400 = arith.select %eq3A_399, %broadcast_in_dim3A_3, %broadcast_in_dim3A_5 : vector<16xi1>, vector<16xf32>
      %mul3A_401 = arith.constant 16 : i32
      %mul3A_402 = arith.muli %scan3A_11, %mul3A_401 : i32
      %swap3A_403 = arith.constant 32 : i32
      %swap3A_404 = arith.index_cast %swap3A_403 : i32 to index
      %swap3A_405 = arith.index_cast %mul3A_402 : i32 to index
      %swap3A_406 = tpu.vector_load %arg5[%swap3A_404, %swap3A_405] {strides = array<i32>} : memref<64x512xf32, #tpu.memory_space<vmem>>, vector<1x16xf32>,
      %swap3A_407 = vector.shape_cast %swap3A_406 : vector<1x16xf32> to vector<16xf32>
      %swap3A_408 = vector.shape_cast %select_n3A_400 : vector<16xf32> to vector<1x16xf32>
      tpu.vector_store %arg5[%swap3A_404, %swap3A_405], %swap3A_408 {strides = array<i32>} : memref<64x512xf32, #tpu.memory_space<vmem>>, vector<1x16xf32>,
      %eq3A_409 = arith.constant 33 : i32
      %eq3A_410 = vector.broadcast %eq3A_409 : i32 to vector<16xi32>
      %eq3A_411 = arith.cmpi eq, %get3A_15, %eq3A_410 : vector<16xi32>
      %select_n3A_412 = arith.select %eq3A_411, %broadcast_in_dim3A_3, %broadcast_in_dim3A_5 : vector<16xi1>, vector<16xf32>
      %mul3A_413 = arith.constant 16 : i32
      %mul3A_414 = arith.muli %scan3A_11, %mul3A_413 : i32
      %swap3A_415 = arith.constant 33 : i32
      %swap3A_416 = arith.index_cast %swap3A_415 : i32 to index
      %swap3A_417 = arith.index_cast %mul3A_414 : i32 to index
      %swap3A_418 = tpu.vector_load %arg5[%swap3A_416, %swap3A_417] {strides = array<i32>} : memref<64x512xf32, #tpu.memory_space<vmem>>, vector<1x16xf32>,
      %swap3A_419 = vector.shape_cast %swap3A_418 : vector<1x16xf32> to vector<16xf32>
      %swap3A_420 = vector.shape_cast %select_n3A_412 : vector<16xf32> to vector<1x16xf32>
      tpu.vector_store %arg5[%swap3A_416, %swap3A_417], %swap3A_420 {strides = array<i32>} : memref<64x512xf32, #tpu.memory_space<vmem>>, vector<1x16xf32>,
      %eq3A_421 = arith.constant 34 : i32
      %eq3A_422 = vector.broadcast %eq3A_421 : i32 to vector<16xi32>
      %eq3A_423 = arith.cmpi eq, %get3A_15, %eq3A_422 : vector<16xi32>
      %select_n3A_424 = arith.select %eq3A_423, %broadcast_in_dim3A_3, %broadcast_in_dim3A_5 : vector<16xi1>, vector<16xf32>
      %mul3A_425 = arith.constant 16 : i32
      %mul3A_426 = arith.muli %scan3A_11, %mul3A_425 : i32
      %swap3A_427 = arith.constant 34 : i32
      %swap3A_428 = arith.index_cast %swap3A_427 : i32 to index
      %swap3A_429 = arith.index_cast %mul3A_426 : i32 to index
      %swap3A_430 = tpu.vector_load %arg5[%swap3A_428, %swap3A_429] {strides = array<i32>} : memref<64x512xf32, #tpu.memory_space<vmem>>, vector<1x16xf32>,
      %swap3A_431 = vector.shape_cast %swap3A_430 : vector<1x16xf32> to vector<16xf32>
      %swap3A_432 = vector.shape_cast %select_n3A_424 : vector<16xf32> to vector<1x16xf32>
      tpu.vector_store %arg5[%swap3A_428, %swap3A_429], %swap3A_432 {strides = array<i32>} : memref<64x512xf32, #tpu.memory_space<vmem>>, vector<1x16xf32>,
      %eq3A_433 = arith.constant 35 : i32
      %eq3A_434 = vector.broadcast %eq3A_433 : i32 to vector<16xi32>
      %eq3A_435 = arith.cmpi eq, %get3A_15, %eq3A_434 : vector<16xi32>
      %select_n3A_436 = arith.select %eq3A_435, %broadcast_in_dim3A_3, %broadcast_in_dim3A_5 : vector<16xi1>, vector<16xf32>
      %mul3A_437 = arith.constant 16 : i32
      %mul3A_438 = arith.muli %scan3A_11, %mul3A_437 : i32
      %swap3A_439 = arith.constant 35 : i32
      %swap3A_440 = arith.index_cast %swap3A_439 : i32 to index
      %swap3A_441 = arith.index_cast %mul3A_438 : i32 to index
      %swap3A_442 = tpu.vector_load %arg5[%swap3A_440, %swap3A_441] {strides = array<i32>} : memref<64x512xf32, #tpu.memory_space<vmem>>, vector<1x16xf32>,
      %swap3A_443 = vector.shape_cast %swap3A_442 : vector<1x16xf32> to vector<16xf32>
      %swap3A_444 = vector.shape_cast %select_n3A_436 : vector<16xf32> to vector<1x16xf32>
      tpu.vector_store %arg5[%swap3A_440, %swap3A_441], %swap3A_444 {strides = array<i32>} : memref<64x512xf32, #tpu.memory_space<vmem>>, vector<1x16xf32>,
      %eq3A_445 = arith.constant 36 : i32
      %eq3A_446 = vector.broadcast %eq3A_445 : i32 to vector<16xi32>
      %eq3A_447 = arith.cmpi eq, %get3A_15, %eq3A_446 : vector<16xi32>
      %select_n3A_448 = arith.select %eq3A_447, %broadcast_in_dim3A_3, %broadcast_in_dim3A_5 : vector<16xi1>, vector<16xf32>
      %mul3A_449 = arith.constant 16 : i32
      %mul3A_450 = arith.muli %scan3A_11, %mul3A_449 : i32
      %swap3A_451 = arith.constant 36 : i32
      %swap3A_452 = arith.index_cast %swap3A_451 : i32 to index
      %swap3A_453 = arith.index_cast %mul3A_450 : i32 to index
      %swap3A_454 = tpu.vector_load %arg5[%swap3A_452, %swap3A_453] {strides = array<i32>} : memref<64x512xf32, #tpu.memory_space<vmem>>, vector<1x16xf32>,
      %swap3A_455 = vector.shape_cast %swap3A_454 : vector<1x16xf32> to vector<16xf32>
      %swap3A_456 = vector.shape_cast %select_n3A_448 : vector<16xf32> to vector<1x16xf32>
      tpu.vector_store %arg5[%swap3A_452, %swap3A_453], %swap3A_456 {strides = array<i32>} : memref<64x512xf32, #tpu.memory_space<vmem>>, vector<1x16xf32>,
      %eq3A_457 = arith.constant 37 : i32
      %eq3A_458 = vector.broadcast %eq3A_457 : i32 to vector<16xi32>
      %eq3A_459 = arith.cmpi eq, %get3A_15, %eq3A_458 : vector<16xi32>
      %select_n3A_460 = arith.select %eq3A_459, %broadcast_in_dim3A_3, %broadcast_in_dim3A_5 : vector<16xi1>, vector<16xf32>
      %mul3A_461 = arith.constant 16 : i32
      %mul3A_462 = arith.muli %scan3A_11, %mul3A_461 : i32
      %swap3A_463 = arith.constant 37 : i32
      %swap3A_464 = arith.index_cast %swap3A_463 : i32 to index
      %swap3A_465 = arith.index_cast %mul3A_462 : i32 to index
      %swap3A_466 = tpu.vector_load %arg5[%swap3A_464, %swap3A_465] {strides = array<i32>} : memref<64x512xf32, #tpu.memory_space<vmem>>, vector<1x16xf32>,
      %swap3A_467 = vector.shape_cast %swap3A_466 : vector<1x16xf32> to vector<16xf32>
      %swap3A_468 = vector.shape_cast %select_n3A_460 : vector<16xf32> to vector<1x16xf32>
      tpu.vector_store %arg5[%swap3A_464, %swap3A_465], %swap3A_468 {strides = array<i32>} : memref<64x512xf32, #tpu.memory_space<vmem>>, vector<1x16xf32>,
      %eq3A_469 = arith.constant 38 : i32
      %eq3A_470 = vector.broadcast %eq3A_469 : i32 to vector<16xi32>
      %eq3A_471 = arith.cmpi eq, %get3A_15, %eq3A_470 : vector<16xi32>
      %select_n3A_472 = arith.select %eq3A_471, %broadcast_in_dim3A_3, %broadcast_in_dim3A_5 : vector<16xi1>, vector<16xf32>
      %mul3A_473 = arith.constant 16 : i32
      %mul3A_474 = arith.muli %scan3A_11, %mul3A_473 : i32
      %swap3A_475 = arith.constant 38 : i32
      %swap3A_476 = arith.index_cast %swap3A_475 : i32 to index
      %swap3A_477 = arith.index_cast %mul3A_474 : i32 to index
      %swap3A_478 = tpu.vector_load %arg5[%swap3A_476, %swap3A_477] {strides = array<i32>} : memref<64x512xf32, #tpu.memory_space<vmem>>, vector<1x16xf32>,
      %swap3A_479 = vector.shape_cast %swap3A_478 : vector<1x16xf32> to vector<16xf32>
      %swap3A_480 = vector.shape_cast %select_n3A_472 : vector<16xf32> to vector<1x16xf32>
      tpu.vector_store %arg5[%swap3A_476, %swap3A_477], %swap3A_480 {strides = array<i32>} : memref<64x512xf32, #tpu.memory_space<vmem>>, vector<1x16xf32>,
      %eq3A_481 = arith.constant 39 : i32
      %eq3A_482 = vector.broadcast %eq3A_481 : i32 to vector<16xi32>
      %eq3A_483 = arith.cmpi eq, %get3A_15, %eq3A_482 : vector<16xi32>
      %select_n3A_484 = arith.select %eq3A_483, %broadcast_in_dim3A_3, %broadcast_in_dim3A_5 : vector<16xi1>, vector<16xf32>
      %mul3A_485 = arith.constant 16 : i32
      %mul3A_486 = arith.muli %scan3A_11, %mul3A_485 : i32
      %swap3A_487 = arith.constant 39 : i32
      %swap3A_488 = arith.index_cast %swap3A_487 : i32 to index
      %swap3A_489 = arith.index_cast %mul3A_486 : i32 to index
      %swap3A_490 = tpu.vector_load %arg5[%swap3A_488, %swap3A_489] {strides = array<i32>} : memref<64x512xf32, #tpu.memory_space<vmem>>, vector<1x16xf32>,
      %swap3A_491 = vector.shape_cast %swap3A_490 : vector<1x16xf32> to vector<16xf32>
      %swap3A_492 = vector.shape_cast %select_n3A_484 : vector<16xf32> to vector<1x16xf32>
      tpu.vector_store %arg5[%swap3A_488, %swap3A_489], %swap3A_492 {strides = array<i32>} : memref<64x512xf32, #tpu.memory_space<vmem>>, vector<1x16xf32>,
      %eq3A_493 = arith.constant 40 : i32
      %eq3A_494 = vector.broadcast %eq3A_493 : i32 to vector<16xi32>
      %eq3A_495 = arith.cmpi eq, %get3A_15, %eq3A_494 : vector<16xi32>
      %select_n3A_496 = arith.select %eq3A_495, %broadcast_in_dim3A_3, %broadcast_in_dim3A_5 : vector<16xi1>, vector<16xf32>
      %mul3A_497 = arith.constant 16 : i32
      %mul3A_498 = arith.muli %scan3A_11, %mul3A_497 : i32
      %swap3A_499 = arith.constant 40 : i32
      %swap3A_500 = arith.index_cast %swap3A_499 : i32 to index
      %swap3A_501 = arith.index_cast %mul3A_498 : i32 to index
      %swap3A_502 = tpu.vector_load %arg5[%swap3A_500, %swap3A_501] {strides = array<i32>} : memref<64x512xf32, #tpu.memory_space<vmem>>, vector<1x16xf32>,
      %swap3A_503 = vector.shape_cast %swap3A_502 : vector<1x16xf32> to vector<16xf32>
      %swap3A_504 = vector.shape_cast %select_n3A_496 : vector<16xf32> to vector<1x16xf32>
      tpu.vector_store %arg5[%swap3A_500, %swap3A_501], %swap3A_504 {strides = array<i32>} : memref<64x512xf32, #tpu.memory_space<vmem>>, vector<1x16xf32>,
      %eq3A_505 = arith.constant 41 : i32
      %eq3A_506 = vector.broadcast %eq3A_505 : i32 to vector<16xi32>
      %eq3A_507 = arith.cmpi eq, %get3A_15, %eq3A_506 : vector<16xi32>
      %select_n3A_508 = arith.select %eq3A_507, %broadcast_in_dim3A_3, %broadcast_in_dim3A_5 : vector<16xi1>, vector<16xf32>
      %mul3A_509 = arith.constant 16 : i32
      %mul3A_510 = arith.muli %scan3A_11, %mul3A_509 : i32
      %swap3A_511 = arith.constant 41 : i32
      %swap3A_512 = arith.index_cast %swap3A_511 : i32 to index
      %swap3A_513 = arith.index_cast %mul3A_510 : i32 to index
      %swap3A_514 = tpu.vector_load %arg5[%swap3A_512, %swap3A_513] {strides = array<i32>} : memref<64x512xf32, #tpu.memory_space<vmem>>, vector<1x16xf32>,
      %swap3A_515 = vector.shape_cast %swap3A_514 : vector<1x16xf32> to vector<16xf32>
      %swap3A_516 = vector.shape_cast %select_n3A_508 : vector<16xf32> to vector<1x16xf32>
      tpu.vector_store %arg5[%swap3A_512, %swap3A_513], %swap3A_516 {strides = array<i32>} : memref<64x512xf32, #tpu.memory_space<vmem>>, vector<1x16xf32>,
      %eq3A_517 = arith.constant 42 : i32
      %eq3A_518 = vector.broadcast %eq3A_517 : i32 to vector<16xi32>
      %eq3A_519 = arith.cmpi eq, %get3A_15, %eq3A_518 : vector<16xi32>
      %select_n3A_520 = arith.select %eq3A_519, %broadcast_in_dim3A_3, %broadcast_in_dim3A_5 : vector<16xi1>, vector<16xf32>
      %mul3A_521 = arith.constant 16 : i32
      %mul3A_522 = arith.muli %scan3A_11, %mul3A_521 : i32
      %swap3A_523 = arith.constant 42 : i32
      %swap3A_524 = arith.index_cast %swap3A_523 : i32 to index
      %swap3A_525 = arith.index_cast %mul3A_522 : i32 to index
      %swap3A_526 = tpu.vector_load %arg5[%swap3A_524, %swap3A_525] {strides = array<i32>} : memref<64x512xf32, #tpu.memory_space<vmem>>, vector<1x16xf32>,
      %swap3A_527 = vector.shape_cast %swap3A_526 : vector<1x16xf32> to vector<16xf32>
      %swap3A_528 = vector.shape_cast %select_n3A_520 : vector<16xf32> to vector<1x16xf32>
      tpu.vector_store %arg5[%swap3A_524, %swap3A_525], %swap3A_528 {strides = array<i32>} : memref<64x512xf32, #tpu.memory_space<vmem>>, vector<1x16xf32>,
      %eq3A_529 = arith.constant 43 : i32
      %eq3A_530 = vector.broadcast %eq3A_529 : i32 to vector<16xi32>
      %eq3A_531 = arith.cmpi eq, %get3A_15, %eq3A_530 : vector<16xi32>
      %select_n3A_532 = arith.select %eq3A_531, %broadcast_in_dim3A_3, %broadcast_in_dim3A_5 : vector<16xi1>, vector<16xf32>
      %mul3A_533 = arith.constant 16 : i32
      %mul3A_534 = arith.muli %scan3A_11, %mul3A_533 : i32
      %swap3A_535 = arith.constant 43 : i32
      %swap3A_536 = arith.index_cast %swap3A_535 : i32 to index
      %swap3A_537 = arith.index_cast %mul3A_534 : i32 to index
      %swap3A_538 = tpu.vector_load %arg5[%swap3A_536, %swap3A_537] {strides = array<i32>} : memref<64x512xf32, #tpu.memory_space<vmem>>, vector<1x16xf32>,
      %swap3A_539 = vector.shape_cast %swap3A_538 : vector<1x16xf32> to vector<16xf32>
      %swap3A_540 = vector.shape_cast %select_n3A_532 : vector<16xf32> to vector<1x16xf32>
      tpu.vector_store %arg5[%swap3A_536, %swap3A_537], %swap3A_540 {strides = array<i32>} : memref<64x512xf32, #tpu.memory_space<vmem>>, vector<1x16xf32>,
      %eq3A_541 = arith.constant 44 : i32
      %eq3A_542 = vector.broadcast %eq3A_541 : i32 to vector<16xi32>
      %eq3A_543 = arith.cmpi eq, %get3A_15, %eq3A_542 : vector<16xi32>
      %select_n3A_544 = arith.select %eq3A_543, %broadcast_in_dim3A_3, %broadcast_in_dim3A_5 : vector<16xi1>, vector<16xf32>
      %mul3A_545 = arith.constant 16 : i32
      %mul3A_546 = arith.muli %scan3A_11, %mul3A_545 : i32
      %swap3A_547 = arith.constant 44 : i32
      %swap3A_548 = arith.index_cast %swap3A_547 : i32 to index
      %swap3A_549 = arith.index_cast %mul3A_546 : i32 to index
      %swap3A_550 = tpu.vector_load %arg5[%swap3A_548, %swap3A_549] {strides = array<i32>} : memref<64x512xf32, #tpu.memory_space<vmem>>, vector<1x16xf32>,
      %swap3A_551 = vector.shape_cast %swap3A_550 : vector<1x16xf32> to vector<16xf32>
      %swap3A_552 = vector.shape_cast %select_n3A_544 : vector<16xf32> to vector<1x16xf32>
      tpu.vector_store %arg5[%swap3A_548, %swap3A_549], %swap3A_552 {strides = array<i32>} : memref<64x512xf32, #tpu.memory_space<vmem>>, vector<1x16xf32>,
      %eq3A_553 = arith.constant 45 : i32
      %eq3A_554 = vector.broadcast %eq3A_553 : i32 to vector<16xi32>
      %eq3A_555 = arith.cmpi eq, %get3A_15, %eq3A_554 : vector<16xi32>
      %select_n3A_556 = arith.select %eq3A_555, %broadcast_in_dim3A_3, %broadcast_in_dim3A_5 : vector<16xi1>, vector<16xf32>
      %mul3A_557 = arith.constant 16 : i32
      %mul3A_558 = arith.muli %scan3A_11, %mul3A_557 : i32
      %swap3A_559 = arith.constant 45 : i32
      %swap3A_560 = arith.index_cast %swap3A_559 : i32 to index
      %swap3A_561 = arith.index_cast %mul3A_558 : i32 to index
      %swap3A_562 = tpu.vector_load %arg5[%swap3A_560, %swap3A_561] {strides = array<i32>} : memref<64x512xf32, #tpu.memory_space<vmem>>, vector<1x16xf32>,
      %swap3A_563 = vector.shape_cast %swap3A_562 : vector<1x16xf32> to vector<16xf32>
      %swap3A_564 = vector.shape_cast %select_n3A_556 : vector<16xf32> to vector<1x16xf32>
      tpu.vector_store %arg5[%swap3A_560, %swap3A_561], %swap3A_564 {strides = array<i32>} : memref<64x512xf32, #tpu.memory_space<vmem>>, vector<1x16xf32>,
      %eq3A_565 = arith.constant 46 : i32
      %eq3A_566 = vector.broadcast %eq3A_565 : i32 to vector<16xi32>
      %eq3A_567 = arith.cmpi eq, %get3A_15, %eq3A_566 : vector<16xi32>
      %select_n3A_568 = arith.select %eq3A_567, %broadcast_in_dim3A_3, %broadcast_in_dim3A_5 : vector<16xi1>, vector<16xf32>
      %mul3A_569 = arith.constant 16 : i32
      %mul3A_570 = arith.muli %scan3A_11, %mul3A_569 : i32
      %swap3A_571 = arith.constant 46 : i32
      %swap3A_572 = arith.index_cast %swap3A_571 : i32 to index
      %swap3A_573 = arith.index_cast %mul3A_570 : i32 to index
      %swap3A_574 = tpu.vector_load %arg5[%swap3A_572, %swap3A_573] {strides = array<i32>} : memref<64x512xf32, #tpu.memory_space<vmem>>, vector<1x16xf32>,
      %swap3A_575 = vector.shape_cast %swap3A_574 : vector<1x16xf32> to vector<16xf32>
      %swap3A_576 = vector.shape_cast %select_n3A_568 : vector<16xf32> to vector<1x16xf32>
      tpu.vector_store %arg5[%swap3A_572, %swap3A_573], %swap3A_576 {strides = array<i32>} : memref<64x512xf32, #tpu.memory_space<vmem>>, vector<1x16xf32>,
      %eq3A_577 = arith.constant 47 : i32
      %eq3A_578 = vector.broadcast %eq3A_577 : i32 to vector<16xi32>
      %eq3A_579 = arith.cmpi eq, %get3A_15, %eq3A_578 : vector<16xi32>
      %select_n3A_580 = arith.select %eq3A_579, %broadcast_in_dim3A_3, %broadcast_in_dim3A_5 : vector<16xi1>, vector<16xf32>
      %mul3A_581 = arith.constant 16 : i32
      %mul3A_582 = arith.muli %scan3A_11, %mul3A_581 : i32
      %swap3A_583 = arith.constant 47 : i32
      %swap3A_584 = arith.index_cast %swap3A_583 : i32 to index
      %swap3A_585 = arith.index_cast %mul3A_582 : i32 to index
      %swap3A_586 = tpu.vector_load %arg5[%swap3A_584, %swap3A_585] {strides = array<i32>} : memref<64x512xf32, #tpu.memory_space<vmem>>, vector<1x16xf32>,
      %swap3A_587 = vector.shape_cast %swap3A_586 : vector<1x16xf32> to vector<16xf32>
      %swap3A_588 = vector.shape_cast %select_n3A_580 : vector<16xf32> to vector<1x16xf32>
      tpu.vector_store %arg5[%swap3A_584, %swap3A_585], %swap3A_588 {strides = array<i32>} : memref<64x512xf32, #tpu.memory_space<vmem>>, vector<1x16xf32>,
      %eq3A_589 = arith.constant 48 : i32
      %eq3A_590 = vector.broadcast %eq3A_589 : i32 to vector<16xi32>
      %eq3A_591 = arith.cmpi eq, %get3A_15, %eq3A_590 : vector<16xi32>
      %select_n3A_592 = arith.select %eq3A_591, %broadcast_in_dim3A_3, %broadcast_in_dim3A_5 : vector<16xi1>, vector<16xf32>
      %mul3A_593 = arith.constant 16 : i32
      %mul3A_594 = arith.muli %scan3A_11, %mul3A_593 : i32
      %swap3A_595 = arith.constant 48 : i32
      %swap3A_596 = arith.index_cast %swap3A_595 : i32 to index
      %swap3A_597 = arith.index_cast %mul3A_594 : i32 to index
      %swap3A_598 = tpu.vector_load %arg5[%swap3A_596, %swap3A_597] {strides = array<i32>} : memref<64x512xf32, #tpu.memory_space<vmem>>, vector<1x16xf32>,
      %swap3A_599 = vector.shape_cast %swap3A_598 : vector<1x16xf32> to vector<16xf32>
      %swap3A_600 = vector.shape_cast %select_n3A_592 : vector<16xf32> to vector<1x16xf32>
      tpu.vector_store %arg5[%swap3A_596, %swap3A_597], %swap3A_600 {strides = array<i32>} : memref<64x512xf32, #tpu.memory_space<vmem>>, vector<1x16xf32>,
      %eq3A_601 = arith.constant 49 : i32
      %eq3A_602 = vector.broadcast %eq3A_601 : i32 to vector<16xi32>
      %eq3A_603 = arith.cmpi eq, %get3A_15, %eq3A_602 : vector<16xi32>
      %select_n3A_604 = arith.select %eq3A_603, %broadcast_in_dim3A_3, %broadcast_in_dim3A_5 : vector<16xi1>, vector<16xf32>
      %mul3A_605 = arith.constant 16 : i32
      %mul3A_606 = arith.muli %scan3A_11, %mul3A_605 : i32
      %swap3A_607 = arith.constant 49 : i32
      %swap3A_608 = arith.index_cast %swap3A_607 : i32 to index
      %swap3A_609 = arith.index_cast %mul3A_606 : i32 to index
      %swap3A_610 = tpu.vector_load %arg5[%swap3A_608, %swap3A_609] {strides = array<i32>} : memref<64x512xf32, #tpu.memory_space<vmem>>, vector<1x16xf32>,
      %swap3A_611 = vector.shape_cast %swap3A_610 : vector<1x16xf32> to vector<16xf32>
      %swap3A_612 = vector.shape_cast %select_n3A_604 : vector<16xf32> to vector<1x16xf32>
      tpu.vector_store %arg5[%swap3A_608, %swap3A_609], %swap3A_612 {strides = array<i32>} : memref<64x512xf32, #tpu.memory_space<vmem>>, vector<1x16xf32>,
      %eq3A_613 = arith.constant 50 : i32
      %eq3A_614 = vector.broadcast %eq3A_613 : i32 to vector<16xi32>
      %eq3A_615 = arith.cmpi eq, %get3A_15, %eq3A_614 : vector<16xi32>
      %select_n3A_616 = arith.select %eq3A_615, %broadcast_in_dim3A_3, %broadcast_in_dim3A_5 : vector<16xi1>, vector<16xf32>
      %mul3A_617 = arith.constant 16 : i32
      %mul3A_618 = arith.muli %scan3A_11, %mul3A_617 : i32
      %swap3A_619 = arith.constant 50 : i32
      %swap3A_620 = arith.index_cast %swap3A_619 : i32 to index
      %swap3A_621 = arith.index_cast %mul3A_618 : i32 to index
      %swap3A_622 = tpu.vector_load %arg5[%swap3A_620, %swap3A_621] {strides = array<i32>} : memref<64x512xf32, #tpu.memory_space<vmem>>, vector<1x16xf32>,
      %swap3A_623 = vector.shape_cast %swap3A_622 : vector<1x16xf32> to vector<16xf32>
      %swap3A_624 = vector.shape_cast %select_n3A_616 : vector<16xf32> to vector<1x16xf32>
      tpu.vector_store %arg5[%swap3A_620, %swap3A_621], %swap3A_624 {strides = array<i32>} : memref<64x512xf32, #tpu.memory_space<vmem>>, vector<1x16xf32>,
      %eq3A_625 = arith.constant 51 : i32
      %eq3A_626 = vector.broadcast %eq3A_625 : i32 to vector<16xi32>
      %eq3A_627 = arith.cmpi eq, %get3A_15, %eq3A_626 : vector<16xi32>
      %select_n3A_628 = arith.select %eq3A_627, %broadcast_in_dim3A_3, %broadcast_in_dim3A_5 : vector<16xi1>, vector<16xf32>
      %mul3A_629 = arith.constant 16 : i32
      %mul3A_630 = arith.muli %scan3A_11, %mul3A_629 : i32
      %swap3A_631 = arith.constant 51 : i32
      %swap3A_632 = arith.index_cast %swap3A_631 : i32 to index
      %swap3A_633 = arith.index_cast %mul3A_630 : i32 to index
      %swap3A_634 = tpu.vector_load %arg5[%swap3A_632, %swap3A_633] {strides = array<i32>} : memref<64x512xf32, #tpu.memory_space<vmem>>, vector<1x16xf32>,
      %swap3A_635 = vector.shape_cast %swap3A_634 : vector<1x16xf32> to vector<16xf32>
      %swap3A_636 = vector.shape_cast %select_n3A_628 : vector<16xf32> to vector<1x16xf32>
      tpu.vector_store %arg5[%swap3A_632, %swap3A_633], %swap3A_636 {strides = array<i32>} : memref<64x512xf32, #tpu.memory_space<vmem>>, vector<1x16xf32>,
      %eq3A_637 = arith.constant 52 : i32
      %eq3A_638 = vector.broadcast %eq3A_637 : i32 to vector<16xi32>
      %eq3A_639 = arith.cmpi eq, %get3A_15, %eq3A_638 : vector<16xi32>
      %select_n3A_640 = arith.select %eq3A_639, %broadcast_in_dim3A_3, %broadcast_in_dim3A_5 : vector<16xi1>, vector<16xf32>
      %mul3A_641 = arith.constant 16 : i32
      %mul3A_642 = arith.muli %scan3A_11, %mul3A_641 : i32
      %swap3A_643 = arith.constant 52 : i32
      %swap3A_644 = arith.index_cast %swap3A_643 : i32 to index
      %swap3A_645 = arith.index_cast %mul3A_642 : i32 to index
      %swap3A_646 = tpu.vector_load %arg5[%swap3A_644, %swap3A_645] {strides = array<i32>} : memref<64x512xf32, #tpu.memory_space<vmem>>, vector<1x16xf32>,
      %swap3A_647 = vector.shape_cast %swap3A_646 : vector<1x16xf32> to vector<16xf32>
      %swap3A_648 = vector.shape_cast %select_n3A_640 : vector<16xf32> to vector<1x16xf32>
      tpu.vector_store %arg5[%swap3A_644, %swap3A_645], %swap3A_648 {strides = array<i32>} : memref<64x512xf32, #tpu.memory_space<vmem>>, vector<1x16xf32>,
      %eq3A_649 = arith.constant 53 : i32
      %eq3A_650 = vector.broadcast %eq3A_649 : i32 to vector<16xi32>
      %eq3A_651 = arith.cmpi eq, %get3A_15, %eq3A_650 : vector<16xi32>
      %select_n3A_652 = arith.select %eq3A_651, %broadcast_in_dim3A_3, %broadcast_in_dim3A_5 : vector<16xi1>, vector<16xf32>
      %mul3A_653 = arith.constant 16 : i32
      %mul3A_654 = arith.muli %scan3A_11, %mul3A_653 : i32
      %swap3A_655 = arith.constant 53 : i32
      %swap3A_656 = arith.index_cast %swap3A_655 : i32 to index
      %swap3A_657 = arith.index_cast %mul3A_654 : i32 to index
      %swap3A_658 = tpu.vector_load %arg5[%swap3A_656, %swap3A_657] {strides = array<i32>} : memref<64x512xf32, #tpu.memory_space<vmem>>, vector<1x16xf32>,
      %swap3A_659 = vector.shape_cast %swap3A_658 : vector<1x16xf32> to vector<16xf32>
      %swap3A_660 = vector.shape_cast %select_n3A_652 : vector<16xf32> to vector<1x16xf32>
      tpu.vector_store %arg5[%swap3A_656, %swap3A_657], %swap3A_660 {strides = array<i32>} : memref<64x512xf32, #tpu.memory_space<vmem>>, vector<1x16xf32>,
      %eq3A_661 = arith.constant 54 : i32
      %eq3A_662 = vector.broadcast %eq3A_661 : i32 to vector<16xi32>
      %eq3A_663 = arith.cmpi eq, %get3A_15, %eq3A_662 : vector<16xi32>
      %select_n3A_664 = arith.select %eq3A_663, %broadcast_in_dim3A_3, %broadcast_in_dim3A_5 : vector<16xi1>, vector<16xf32>
      %mul3A_665 = arith.constant 16 : i32
      %mul3A_666 = arith.muli %scan3A_11, %mul3A_665 : i32
      %swap3A_667 = arith.constant 54 : i32
      %swap3A_668 = arith.index_cast %swap3A_667 : i32 to index
      %swap3A_669 = arith.index_cast %mul3A_666 : i32 to index
      %swap3A_670 = tpu.vector_load %arg5[%swap3A_668, %swap3A_669] {strides = array<i32>} : memref<64x512xf32, #tpu.memory_space<vmem>>, vector<1x16xf32>,
      %swap3A_671 = vector.shape_cast %swap3A_670 : vector<1x16xf32> to vector<16xf32>
      %swap3A_672 = vector.shape_cast %select_n3A_664 : vector<16xf32> to vector<1x16xf32>
      tpu.vector_store %arg5[%swap3A_668, %swap3A_669], %swap3A_672 {strides = array<i32>} : memref<64x512xf32, #tpu.memory_space<vmem>>, vector<1x16xf32>,
      %eq3A_673 = arith.constant 55 : i32
      %eq3A_674 = vector.broadcast %eq3A_673 : i32 to vector<16xi32>
      %eq3A_675 = arith.cmpi eq, %get3A_15, %eq3A_674 : vector<16xi32>
      %select_n3A_676 = arith.select %eq3A_675, %broadcast_in_dim3A_3, %broadcast_in_dim3A_5 : vector<16xi1>, vector<16xf32>
      %mul3A_677 = arith.constant 16 : i32
      %mul3A_678 = arith.muli %scan3A_11, %mul3A_677 : i32
      %swap3A_679 = arith.constant 55 : i32
      %swap3A_680 = arith.index_cast %swap3A_679 : i32 to index
      %swap3A_681 = arith.index_cast %mul3A_678 : i32 to index
      %swap3A_682 = tpu.vector_load %arg5[%swap3A_680, %swap3A_681] {strides = array<i32>} : memref<64x512xf32, #tpu.memory_space<vmem>>, vector<1x16xf32>,
      %swap3A_683 = vector.shape_cast %swap3A_682 : vector<1x16xf32> to vector<16xf32>
      %swap3A_684 = vector.shape_cast %select_n3A_676 : vector<16xf32> to vector<1x16xf32>
      tpu.vector_store %arg5[%swap3A_680, %swap3A_681], %swap3A_684 {strides = array<i32>} : memref<64x512xf32, #tpu.memory_space<vmem>>, vector<1x16xf32>,
      %eq3A_685 = arith.constant 56 : i32
      %eq3A_686 = vector.broadcast %eq3A_685 : i32 to vector<16xi32>
      %eq3A_687 = arith.cmpi eq, %get3A_15, %eq3A_686 : vector<16xi32>
      %select_n3A_688 = arith.select %eq3A_687, %broadcast_in_dim3A_3, %broadcast_in_dim3A_5 : vector<16xi1>, vector<16xf32>
      %mul3A_689 = arith.constant 16 : i32
      %mul3A_690 = arith.muli %scan3A_11, %mul3A_689 : i32
      %swap3A_691 = arith.constant 56 : i32
      %swap3A_692 = arith.index_cast %swap3A_691 : i32 to index
      %swap3A_693 = arith.index_cast %mul3A_690 : i32 to index
      %swap3A_694 = tpu.vector_load %arg5[%swap3A_692, %swap3A_693] {strides = array<i32>} : memref<64x512xf32, #tpu.memory_space<vmem>>, vector<1x16xf32>,
      %swap3A_695 = vector.shape_cast %swap3A_694 : vector<1x16xf32> to vector<16xf32>
      %swap3A_696 = vector.shape_cast %select_n3A_688 : vector<16xf32> to vector<1x16xf32>
      tpu.vector_store %arg5[%swap3A_692, %swap3A_693], %swap3A_696 {strides = array<i32>} : memref<64x512xf32, #tpu.memory_space<vmem>>, vector<1x16xf32>,
      %eq3A_697 = arith.constant 57 : i32
      %eq3A_698 = vector.broadcast %eq3A_697 : i32 to vector<16xi32>
      %eq3A_699 = arith.cmpi eq, %get3A_15, %eq3A_698 : vector<16xi32>
      %select_n3A_700 = arith.select %eq3A_699, %broadcast_in_dim3A_3, %broadcast_in_dim3A_5 : vector<16xi1>, vector<16xf32>
      %mul3A_701 = arith.constant 16 : i32
      %mul3A_702 = arith.muli %scan3A_11, %mul3A_701 : i32
      %swap3A_703 = arith.constant 57 : i32
      %swap3A_704 = arith.index_cast %swap3A_703 : i32 to index
      %swap3A_705 = arith.index_cast %mul3A_702 : i32 to index
      %swap3A_706 = tpu.vector_load %arg5[%swap3A_704, %swap3A_705] {strides = array<i32>} : memref<64x512xf32, #tpu.memory_space<vmem>>, vector<1x16xf32>,
      %swap3A_707 = vector.shape_cast %swap3A_706 : vector<1x16xf32> to vector<16xf32>
      %swap3A_708 = vector.shape_cast %select_n3A_700 : vector<16xf32> to vector<1x16xf32>
      tpu.vector_store %arg5[%swap3A_704, %swap3A_705], %swap3A_708 {strides = array<i32>} : memref<64x512xf32, #tpu.memory_space<vmem>>, vector<1x16xf32>,
      %eq3A_709 = arith.constant 58 : i32
      %eq3A_710 = vector.broadcast %eq3A_709 : i32 to vector<16xi32>
      %eq3A_711 = arith.cmpi eq, %get3A_15, %eq3A_710 : vector<16xi32>
      %select_n3A_712 = arith.select %eq3A_711, %broadcast_in_dim3A_3, %broadcast_in_dim3A_5 : vector<16xi1>, vector<16xf32>
      %mul3A_713 = arith.constant 16 : i32
      %mul3A_714 = arith.muli %scan3A_11, %mul3A_713 : i32
      %swap3A_715 = arith.constant 58 : i32
      %swap3A_716 = arith.index_cast %swap3A_715 : i32 to index
      %swap3A_717 = arith.index_cast %mul3A_714 : i32 to index
      %swap3A_718 = tpu.vector_load %arg5[%swap3A_716, %swap3A_717] {strides = array<i32>} : memref<64x512xf32, #tpu.memory_space<vmem>>, vector<1x16xf32>,
      %swap3A_719 = vector.shape_cast %swap3A_718 : vector<1x16xf32> to vector<16xf32>
      %swap3A_720 = vector.shape_cast %select_n3A_712 : vector<16xf32> to vector<1x16xf32>
      tpu.vector_store %arg5[%swap3A_716, %swap3A_717], %swap3A_720 {strides = array<i32>} : memref<64x512xf32, #tpu.memory_space<vmem>>, vector<1x16xf32>,
      %eq3A_721 = arith.constant 59 : i32
      %eq3A_722 = vector.broadcast %eq3A_721 : i32 to vector<16xi32>
      %eq3A_723 = arith.cmpi eq, %get3A_15, %eq3A_722 : vector<16xi32>
      %select_n3A_724 = arith.select %eq3A_723, %broadcast_in_dim3A_3, %broadcast_in_dim3A_5 : vector<16xi1>, vector<16xf32>
      %mul3A_725 = arith.constant 16 : i32
      %mul3A_726 = arith.muli %scan3A_11, %mul3A_725 : i32
      %swap3A_727 = arith.constant 59 : i32
      %swap3A_728 = arith.index_cast %swap3A_727 : i32 to index
      %swap3A_729 = arith.index_cast %mul3A_726 : i32 to index
      %swap3A_730 = tpu.vector_load %arg5[%swap3A_728, %swap3A_729] {strides = array<i32>} : memref<64x512xf32, #tpu.memory_space<vmem>>, vector<1x16xf32>,
      %swap3A_731 = vector.shape_cast %swap3A_730 : vector<1x16xf32> to vector<16xf32>
      %swap3A_732 = vector.shape_cast %select_n3A_724 : vector<16xf32> to vector<1x16xf32>
      tpu.vector_store %arg5[%swap3A_728, %swap3A_729], %swap3A_732 {strides = array<i32>} : memref<64x512xf32, #tpu.memory_space<vmem>>, vector<1x16xf32>,
      %eq3A_733 = arith.constant 60 : i32
      %eq3A_734 = vector.broadcast %eq3A_733 : i32 to vector<16xi32>
      %eq3A_735 = arith.cmpi eq, %get3A_15, %eq3A_734 : vector<16xi32>
      %select_n3A_736 = arith.select %eq3A_735, %broadcast_in_dim3A_3, %broadcast_in_dim3A_5 : vector<16xi1>, vector<16xf32>
      %mul3A_737 = arith.constant 16 : i32
      %mul3A_738 = arith.muli %scan3A_11, %mul3A_737 : i32
      %swap3A_739 = arith.constant 60 : i32
      %swap3A_740 = arith.index_cast %swap3A_739 : i32 to index
      %swap3A_741 = arith.index_cast %mul3A_738 : i32 to index
      %swap3A_742 = tpu.vector_load %arg5[%swap3A_740, %swap3A_741] {strides = array<i32>} : memref<64x512xf32, #tpu.memory_space<vmem>>, vector<1x16xf32>,
      %swap3A_743 = vector.shape_cast %swap3A_742 : vector<1x16xf32> to vector<16xf32>
      %swap3A_744 = vector.shape_cast %select_n3A_736 : vector<16xf32> to vector<1x16xf32>
      tpu.vector_store %arg5[%swap3A_740, %swap3A_741], %swap3A_744 {strides = array<i32>} : memref<64x512xf32, #tpu.memory_space<vmem>>, vector<1x16xf32>,
      %eq3A_745 = arith.constant 61 : i32
      %eq3A_746 = vector.broadcast %eq3A_745 : i32 to vector<16xi32>
      %eq3A_747 = arith.cmpi eq, %get3A_15, %eq3A_746 : vector<16xi32>
      %select_n3A_748 = arith.select %eq3A_747, %broadcast_in_dim3A_3, %broadcast_in_dim3A_5 : vector<16xi1>, vector<16xf32>
      %mul3A_749 = arith.constant 16 : i32
      %mul3A_750 = arith.muli %scan3A_11, %mul3A_749 : i32
      %swap3A_751 = arith.constant 61 : i32
      %swap3A_752 = arith.index_cast %swap3A_751 : i32 to index
      %swap3A_753 = arith.index_cast %mul3A_750 : i32 to index
      %swap3A_754 = tpu.vector_load %arg5[%swap3A_752, %swap3A_753] {strides = array<i32>} : memref<64x512xf32, #tpu.memory_space<vmem>>, vector<1x16xf32>,
      %swap3A_755 = vector.shape_cast %swap3A_754 : vector<1x16xf32> to vector<16xf32>
      %swap3A_756 = vector.shape_cast %select_n3A_748 : vector<16xf32> to vector<1x16xf32>
      tpu.vector_store %arg5[%swap3A_752, %swap3A_753], %swap3A_756 {strides = array<i32>} : memref<64x512xf32, #tpu.memory_space<vmem>>, vector<1x16xf32>,
      %eq3A_757 = arith.constant 62 : i32
      %eq3A_758 = vector.broadcast %eq3A_757 : i32 to vector<16xi32>
      %eq3A_759 = arith.cmpi eq, %get3A_15, %eq3A_758 : vector<16xi32>
      %select_n3A_760 = arith.select %eq3A_759, %broadcast_in_dim3A_3, %broadcast_in_dim3A_5 : vector<16xi1>, vector<16xf32>
      %mul3A_761 = arith.constant 16 : i32
      %mul3A_762 = arith.muli %scan3A_11, %mul3A_761 : i32
      %swap3A_763 = arith.constant 62 : i32
      %swap3A_764 = arith.index_cast %swap3A_763 : i32 to index
      %swap3A_765 = arith.index_cast %mul3A_762 : i32 to index
      %swap3A_766 = tpu.vector_load %arg5[%swap3A_764, %swap3A_765] {strides = array<i32>} : memref<64x512xf32, #tpu.memory_space<vmem>>, vector<1x16xf32>,
      %swap3A_767 = vector.shape_cast %swap3A_766 : vector<1x16xf32> to vector<16xf32>
      %swap3A_768 = vector.shape_cast %select_n3A_760 : vector<16xf32> to vector<1x16xf32>
      tpu.vector_store %arg5[%swap3A_764, %swap3A_765], %swap3A_768 {strides = array<i32>} : memref<64x512xf32, #tpu.memory_space<vmem>>, vector<1x16xf32>,
      %eq3A_769 = arith.constant 63 : i32
      %eq3A_770 = vector.broadcast %eq3A_769 : i32 to vector<16xi32>
      %eq3A_771 = arith.cmpi eq, %get3A_15, %eq3A_770 : vector<16xi32>
      %select_n3A_772 = arith.select %eq3A_771, %broadcast_in_dim3A_3, %broadcast_in_dim3A_5 : vector<16xi1>, vector<16xf32>
      %mul3A_773 = arith.constant 16 : i32
      %mul3A_774 = arith.muli %scan3A_11, %mul3A_773 : i32
      %swap3A_775 = arith.constant 63 : i32
      %swap3A_776 = arith.index_cast %swap3A_775 : i32 to index
      %swap3A_777 = arith.index_cast %mul3A_774 : i32 to index
      %swap3A_778 = tpu.vector_load %arg5[%swap3A_776, %swap3A_777] {strides = array<i32>} : memref<64x512xf32, #tpu.memory_space<vmem>>, vector<1x16xf32>,
      %swap3A_779 = vector.shape_cast %swap3A_778 : vector<1x16xf32> to vector<16xf32>
      %swap3A_780 = vector.shape_cast %select_n3A_772 : vector<16xf32> to vector<1x16xf32>
      tpu.vector_store %arg5[%swap3A_776, %swap3A_777], %swap3A_780 {strides = array<i32>} : memref<64x512xf32, #tpu.memory_space<vmem>>, vector<1x16xf32>,
    }
    %scan3A_10 = arith.constant 32 : i32
    "tpu.region"() ({
      %run_scoped3A = tpu.sem_alloc : memref<!tpu.dma_semaphore, #tpu.memory_space<semaphore_mem>>
      %dma_start3A = arith.constant 0 : i32
      %dma_start3A_11 = tpu.memref_slice %arg3[%dma_start3A, %mul3A_2] : memref<64x16384xf32, #tpu.memory_space<hbm>> -> memref<64x512xf32, #tpu.memory_space<hbm>>
      %dma_start3A_12 = arith.constant 0 : i32
      %dma_start3A_13 = tpu.memref_slice %arg3[%dma_start3A_12, %mul3A_2] : memref<64x16384xf32, #tpu.memory_space<hbm>> -> memref<64x512xf32, #tpu.memory_space<hbm>>
      tpu.enqueue_dma source(%arg5 : memref<64x512xf32, #tpu.memory_space<vmem>>) target(%dma_start3A_13 : memref<64x512xf32, #tpu.memory_space<hbm>>) target_semaphore(%run_scoped3A : memref<!tpu.dma_semaphore, #tpu.memory_space<semaphore_mem>>)
      %dma_wait3A = arith.constant 0 : i32
      %dma_wait3A_14 = tpu.memref_slice %arg3[%dma_wait3A, %mul3A_2] : memref<64x16384xf32, #tpu.memory_space<hbm>> -> memref<64x512xf32, #tpu.memory_space<hbm>>
      %dma_wait3A_15 = arith.constant 0 : i32
      %dma_wait3A_16 = tpu.memref_slice %arg3[%dma_wait3A_15, %mul3A_2] : memref<64x16384xf32, #tpu.memory_space<hbm>> -> memref<64x512xf32, #tpu.memory_space<hbm>>
      tpu.wait_dma2 semaphore(%run_scoped3A : memref<!tpu.dma_semaphore, #tpu.memory_space<semaphore_mem>>) src(%arg5 : memref<64x512xf32, #tpu.memory_space<vmem>>) dst(%dma_wait3A_16 : memref<64x512xf32, #tpu.memory_space<hbm>>)
      tpu.yield
    }) : () -> ()
    return
  }
}

</mosaic_0001>

<sc_bundles>
// kernel: kernel.3.cloned.1.call-start
scs
__scs_entry_jumppad:
0x0: {  	(pc) =	sbr.rel $0x88, $3  }
0x1: {  	(tag) =	ssettag $0x0;
	lr =	simm.s32 $0x1  }
0x2: {  	[smem:$0x3FA0] =	sst lr;
	_ =	strace $0xD0000000  }
0x3: {  	_ = 	snop  }
0x4: {  	_ = 	snop  }
0x5: {  	_ = 	snop  }
0x6: {  	_ = 	snop  }
0x7: {  	_ = 	snop  }
__scs_overlays_trampoline_lowered:
0x8: {  	[smem:$0x3FAF] =	sst s0  }
0x9: {  	[smem:$0x3FB0] =	sst s1  }
0xa: {  	[smem:$0x3FB1] =	sst s2  }
0xb: {  	[smem:$0x3FB2] =	sst s3  }
0xc: {  	[smem:$0x3FB3] =	sst s4  }
0xd: {  	[smem:$0x3FB4] =	sst s5  }
0xe: {  	[smem:$0x3FB5] =	sst s6  }
0xf: {  	[smem:$0x3FB6] =	sst s7  }
0x10: {  	[smem:$0x3FB7] =	sst s8  }
0x11: {  	[smem:$0x3FB8] =	sst s9;
	s0 =	simm.s32 @!p0 $0x0  }
0x12: {  	s1 =	sld [smem:$0x3F9E];
	s0 =	simm.s32 @p0 $0x1  }
0x13: {  	[smem:$0x3FB9] =	sst s0;
	s0 =	simm.s32 @!p1 $0x0  }
0x14: {  	s2 =	sld [smem:$0x3F9D];
	s0 =	simm.s32 @p1 $0x1  }
0x15: {  	[smem:$0x3FBA] =	sst s0;
	s0 =	simm.s32 @!p2 $0x0  }
0x16: {  	s3 =	sld [smem:$0x3FDB];
	s0 =	simm.s32 @p2 $0x1  }
0x17: {  	s4 =	simm.s32 $0x1BF5;
	[smem:$0x3FBC] =	sst s0  }
0x18: {  	s0 =	sld [smem:$0x3F9F];
	_ =	swait.ge [sflag:s4], $0x0  }
0x19: {  	s7 =	sld [smem:$0x3FA0]  }
0x1a: {  	s8 =	sadd.s32 $0xFFFFE003, lr  }
0x1b: {  	s9 =	sadd.s32 $0xFFFFFEF7, lr;
	s5 =	simm.s32 $0xFFFFFFFF;
	p2 =	slt.u32 s8, $0xFFFFF086  }
0x1c: {  	p1 =	slt.u32 s9, $0xF7A;
	s5 =	simm.s32 @!p2 $0x0  }
0x1d: {  	s5 =	simm.s32 @p1 $0x1;
	p0 =	seq.s32 s7, s2  }
0x1e: {  	s7 =	smul.u32 @!p0 $0xF7A, s2;
	p2 =	seq.s32 @!p0 s5, $0x0  }
0x1f: {  	s9 =	smul.u32 $0xF7A, s1;
	s8 =	simm.s32 @!p0 $0x1BF5;
	p2 =	por !p2, p0  }
0x20: {  	[sflag:s8] =	ssyncset.s32 @!p0 $0xFFFFF086;
	s6 =	sadd.s32 @!p0 s3, s7;
	s7 =	simm.s32 @!p0 $0x108  }
0x21: {  	s3 =	sadd.s32 s3, s9;
	s6 =	sadd.s32 @!p0 $0x88, s6;
	s7 =	simm.s32 @p2 $0x1082  }
0x22: {  	[simem:s7], [sflag:s8] =	dma.local @!p0 [hbm:s6], $0xF7A  }
0x23: {  	s9 =	sor.u32 $0xD0000000, s2;
	s6 =	simm.s32 $0x108;
	_ =	swait.ge @!p0 [sflag:s8], $0x0  }
0x24: {  	s3 =	sadd.s32 $0x88, s3;
	s6 =	simm.s32 @!p1 $0x1082;
	[sflag:s4] =	ssyncset.s32 $0xFFFFF086  }
0x25: {  	[simem:s6], [sflag:s4] =	dma.local [hbm:s3], $0xF7A  }
0x26: {  	[smem:$0x3FA0] =	sst s1;
	(tag) =	ssettag s2;
	_ =	strace s9  }
0x27: {  	s1 =	sld [smem:$0x3FB0]  }
0x28: {  	s2 =	sld [smem:$0x3FB1]  }
0x29: {  	s4 =	sld [smem:$0x3FB3]  }
0x2a: {  	p0 =	seq.s32 s5, $0x0;
	s5 =	sld [smem:$0x3FB4]  }
0x2b: {  	s6 =	sld [smem:$0x3FB5]  }
0x2c: {  	s7 =	sld [smem:$0x3FB6]  }
0x2d: {  	s3 =	simm.s32 $0x108;
	s8 =	sld [smem:$0x3FB7]  }
0x2e: {  	s3 =	simm.s32 @!p0 $0x1082;
	s9 =	sld [smem:$0x3FB8]  }
0x2f: {  	lr =	sadd.s32 s0, s3;
	s0 =	sld [smem:$0x3FAF]  }
0x30: {  	s3 =	sld [smem:$0x3FB2]  }
0x31: {  	[smem:$0x3FBB] =	sst s10  }
0x32: {  	s10 =	sld [smem:$0x3FB9];
	_ =	sdelay $0x3  }
0x33: {  	p0 =	seq.s32 s10, $0x1;
	s10 =	sld [smem:$0x3FBB];
	_ =	sdelay $0x3  }
0x34: {  	[smem:$0x3FBB] =	sst s10  }
0x35: {  	s10 =	sld [smem:$0x3FBA];
	_ =	sdelay $0x3  }
0x36: {  	p1 =	seq.s32 s10, $0x1;
	s10 =	sld [smem:$0x3FBB];
	_ =	sdelay $0x3  }
0x37: {  	[smem:$0x3FBB] =	sst s10  }
0x38: {  	s10 =	sld [smem:$0x3FBC]  }
0x39: {  	_ = 	snop;
	(pc) =	sbr.ind lr, $3  }
0x3a: {  	_ = 	snop  }
0x3b: {  	_ = 	snop  }
0x3c: {  	p2 =	seq.s32 s10, $0x1;
	s10 =	sld [smem:$0x3FBB]  }
0x3d: {  	_ =	shalt  }
0x3e: {  	_ =	shalt  }
0x3f: {  	_ =	shalt  }
0x40: {  	_ =	shalt  }
0x41: {  	_ =	shalt  }
0x42: {  	_ =	shalt  }
0x43: {  	_ =	shalt  }
0x44: {  	_ =	shalt  }
0x45: {  	_ =	shalt  }
0x46: {  	_ =	shalt  }
0x47: {  	_ =	shalt  }
0x48: {  	_ =	shalt  }
0x49: {  	_ =	shalt  }
0x4a: {  	_ =	shalt  }
0x4b: {  	_ =	shalt  }
0x4c: {  	_ =	shalt  }
0x4d: {  	_ =	shalt  }
0x4e: {  	_ =	shalt  }
0x4f: {  	_ =	shalt  }
0x50: {  	_ =	shalt  }
0x51: {  	_ =	shalt  }
0x52: {  	_ =	shalt  }
0x53: {  	_ =	shalt  }
0x54: {  	_ =	shalt  }
0x55: {  	_ =	shalt  }
0x56: {  	_ =	shalt  }
0x57: {  	_ =	shalt  }
0x58: {  	_ =	shalt  }
0x59: {  	_ =	shalt  }
0x5a: {  	_ =	shalt  }
0x5b: {  	_ =	shalt  }
0x5c: {  	_ =	shalt  }
0x5d: {  	_ =	shalt  }
0x5e: {  	_ =	shalt  }
0x5f: {  	_ =	shalt  }
0x60: {  	_ =	shalt  }
0x61: {  	_ =	shalt  }
0x62: {  	_ =	shalt  }
0x63: {  	_ =	shalt  }
0x64: {  	_ =	shalt  }
0x65: {  	_ =	shalt  }
0x66: {  	_ =	shalt  }
0x67: {  	_ =	shalt  }
0x68: {  	_ =	shalt  }
0x69: {  	_ =	shalt  }
0x6a: {  	_ =	shalt  }
0x6b: {  	_ =	shalt  }
0x6c: {  	_ =	shalt  }
0x6d: {  	_ =	shalt  }
0x6e: {  	_ =	shalt  }
0x6f: {  	_ =	shalt  }
0x70: {  	_ =	shalt  }
0x71: {  	_ =	shalt  }
0x72: {  	_ =	shalt  }
0x73: {  	_ =	shalt  }
0x74: {  	_ =	shalt  }
0x75: {  	_ =	shalt  }
0x76: {  	_ =	shalt  }
0x77: {  	_ =	shalt  }
0x78: {  	_ =	shalt  }
0x79: {  	_ =	shalt  }
0x7a: {  	_ =	shalt  }
0x7b: {  	_ =	shalt  }
0x7c: {  	_ =	shalt  }
0x7d: {  	_ =	shalt  }
0x7e: {  	_ =	shalt  }
0x7f: {  	_ =	shalt  }
0x80: {  	_ =	shalt  }
0x81: {  	_ =	shalt  }
0x82: {  	_ =	shalt  }
0x83: {  	_ =	shalt  }
0x84: {  	_ =	shalt  }
0x85: {  	_ =	shalt  }
0x86: {  	_ =	shalt  }
0x87: {  	_ =	shalt  }
.Lfunc_end0:
.L_simem_size_0:
called_computation_lowered:
.L_overlay_start_0:
0x88: {  	s2 =	sld [smem:$0x3FD9]  }
0x89: {  	s3 =	sld [smem:$0x3FFE];
	_ =	sdelay $0x1  }
0x8a: {  	s1 =	srdreg.scid  }
0x8b: {  	s0 =	sand.u32 $0x1, s1  }
0x8c: {  	s18 =	sshll.u32 s0, $0xA;
	s2 =	sadd.s32 s3, s2  }
0x8d: {  	s2 =	sadd.s32 s2, s18  }
0x8e: {  	[smem:$0x3FC7] =	sst s2  }
0x8f: {  	_ = 	snop  }
0x90: {  	s2 =	sld [smem:$0x3FC9]  }
0x91: {  	s19 =	sld [smem:$0x3FD0];
	(tm) =	ssettm $0x1  }
0x92: {  	s4 =	sld [smem:$0x3FFB];
	_ =	sdelay $0x3  }
0x93: {  	_ =	strace s4  }
0x94: {  	s4 =	sld [smem:$0x3FFC];
	_ =	sdelay $0x3  }
0x95: {  	_ =	strace s4  }
0x96: {  	s4 =	sld [smem:$0x3FFD];
	_ =	sdelay $0x3  }
0x97: {  	_ =	strace s4  }
0x98: {  	_ =	strace $0x8FFFFFFF  }
0x99: {  	s20 =	sld [smem:$0x3FDB];
	_ =	sdelay $0x1  }
0x9a: {  	s5 =	simm.s32 $_scs_section_size  }
0x9b: {  	s6 =	simm.s32 $_size__tile_overlayer_lowered;
	s7 =	simm.s32 $_tile_overlayer_lowered  }
0x9c: {  	s23 =	simm.s32 $0x1BFF;
	s22 =	sshll.u32 s7, $0x1;
	s4 =	sadd.s32 s5, s20  }
0x9d: {  	s8 =	simm.s32 $0x0;
	s21 =	sshll.u32 s6, $0x1;
	s6 =	sadd.s32 s22, s4  }
0x9e: {  	[timem:s8], [sflag:s23] =	dma.local [hbm:s6], s21  }
0x9f: {  	_ =	swait.ge [sflag:s23], s21  }
0xa0: {  	s5 =	ssub.s32 $0x0, s21;
	[sflag:s23] =	ssyncset.done $0x0  }
0xa1: {  	[sflag:s23] =	ssyncadd.s32 s5;
	_ =	sdelay $0x1  }
0xa2: {  	s24 =	simm.s32 $0x1B8B  }
0xa3: {  	_ =	swait.ge [sflag:s24], $0x1  }
0xa4: {  	[sflag:s24] =	ssyncset.done $0x0  }
0xa5: {  	s25 =	simm.s32 $0x1B8E;
	[sflag:s24] =	ssyncadd.s32 $0xFFFFFFFF  }
0xa6: {  	s26 =	simm.s32 $execute0_lowered;
	[smem:$0x3FD2] =	sst s25  }
0xa7: {  	s5 =	sshll.u32 s26, $0x1;
	_ =	strace $0x80000046;
	[dreg:$0x1] =	wrdreg $0xFFFFFFFF  }
0xa8: {  	s28 =	simm.s32 $_size_execute0_lowered;
	s4 =	sadd.s32 s4, s5;
	[dreg:$0x0] =	wrdreg $0x0  }
0xa9: {  	s5 =	sshll.u32 s28, $0x1;
	[dreg:$0x2] =	wrdreg s4  }
0xaa: {  	[dreg:$0x3] =	wrdreg s5  }
0xab: {  	[dreg:$0x4] =	wrdreg $0xC0  }
0xac: {  	_ =	task [dreg:s8], $0x5FFFF  }
0xad: {  	[dreg:$0x1] =	wrdreg $0xFFFFFFFF  }
0xae: {  	[dreg:$0x0] =	wrdreg $0x60  }
0xaf: {  	[dreg:$0x2] =	wrdreg s2  }
0xb0: {  	[dreg:$0x3] =	wrdreg s19  }
0xb1: {  	[dreg:$0x4] =	wrdreg $0x9  }
0xb2: {  	_ =	task.clear_ibuf [dreg:s8], $0x5FFFF;
	_ =	strace $0x90000046  }
0xb3: {  	s29 =	simm.s32 $0x9;
	_ =	strace $0x80000048  }
0xb4: {  	_ =	swait.ge [sflag:s29], $0x1  }
0xb5: {  	[sflag:s29] =	ssyncadd.s32 $0xFFFFFFFF  }
0xb6: {  	_ =	strace $0x90000048  }
0xb7: {  	_ =	sfence  }
0xb8: {  	s30 =	sld [smem:$0x0];
	_ =	sdelay $0x2  }
0xb9: {  	s31 =	sshll.u32 s1, $0xD;
	s1 =	sshrl.u32 s1, $0x2  }
0xba: {  	s3 =	sand.u32 $0x4000, s31;
	s1 =	sadd.s32 s1, s30  }
0xbb: {  	s0 =	sor.u32 s3, s0;
	s1 =	sshll.u32 s1, $0x11  }
0xbc: {  	s0 =	sor.u32 s1, s0  }
0xbd: {  	s0 =	sadd.s32 $0x8F2B, s0  }
0xbe: {  	[sflag:s0] =	ssyncadd.remote.s32 $0x1  }
0xbf: {  	_ =	sfence.sel $0xFFFF  }
0xc0: {  	[dreg:$0x0] =	wrdreg $0xFFFFFFFF;
	(pc) =	sbr.abs _section_cstart, $3  }
0xc1: {  	[dreg:$0x1] =	wrdreg $0xFFFFFFFF  }
0xc2: {  	_ =	task.clear_ibuf [dreg:s8], $0x2FFFF;
	_ =	strace $0x9FFFFFFF  }
0xc3: {  	(tm) =	ssettm $0x7FFFFFFF  }
tec
execute0_lowered:
.L_overlay_start_1:
0x0: {  	(tag) =	ssettag $0x1  }
0x1: {  	s3 =	rddreg [dreg:$0x0]  }
0x2: {  	s4 =	rddreg [dreg:$0x1];
	s2 =	srdreg.scid  }
0x3: {  	s0 =	rddreg [dreg:$0x2];
	s1 =	stileid.u32;
	s9 =	simm.s32 $0x200  }
0x4: {  	s10 =	simm.s32 $0x0;
	s5 =	sand.u32 $0x1, s2;
	s2 =	simm.s32 $0x0  }
0x5: {  	s6 =	sshll.u32 s1, $0xA;
	s7 =	sshll.u32 s5, $0x9;
	[smem:$0x7FF] =	sst s2  }
0x6: {  	s5 =	ssub.s32 $0x2, s5;
	s6 =	sor.u32 s7, s6;
	_ =	strace $0x80000047  }
0x7: {  	s31 =	sshrl.u32 s5, $0x1;
	s7 =	simm.s32 $0x1000;
	s8 =	sshrl.u32 s6, $0x3  }
0x8: {  	s5 =	ssub.s32 s5, s31;
	s4 =	sadd.s32 s4, s6;
	s6 =	simm.s32 $0x1  }
0x9: {  	v0 =	vimm.f32 $0.0e+00;
	s3 =	sadd.s32 s3, s8;
	s5 =	smax.u32 s5, $0x1;
	s8 =	simm.s32 $0x20000  }
.LBB2_1:
0xa: {  	[tilespmem:s2], [sflag:$0x1] =	stream.linear.gather [hbm4b:s3+s2], $0x200, $0x38;
	[tilespmem:$0x8200] =	vst v63  }
0xb: {  	_ =	swait.ge [sflag:s6], $0x200  }
0xc: {  	s11 =	simm.s32 $0x0;
	[sflag:s6] =	ssyncset.done $0x0  }
0xd: {  	s12 =	simm.s32 $0x0;
	s13 =	simm.s32 $0x0;
	[sflag:s6] =	ssyncadd.s32 $0xFFFFFE00  }
.LBB2_2:
0xe: {  	v1 =	vld [tilespmem:s11+$0x0];
	_ =	sdelay $0x4  }
0xf: {  	s14 =	sand.u32 $0x70, s13;
	s15 =	sand.u32 $0xC00, s12;
	vm0 =	veq.s32 v1, $0x0  }
0x10: {  	s14 =	sor.u32 s14, s15;
	vm13 =	veq.s32 v1, $0x1;
	v2 =	vsel vm0, $0x3F800000, v0  }
0x11: {  	vm14 =	veq.s32 v1, $0x2;
	[tilespmem:s14+$0x200] =	vst v2;
	v2 =	vsel vm13, $0x3F800000, v0  }
0x12: {  	vm15 =	veq.s32 v1, $0x3;
	[tilespmem:s14+$0x280] =	vst v2;
	v2 =	vsel vm14, $0x3F800000, v0  }
0x13: {  	vm4 =	veq.s32 v1, $0x4;
	[tilespmem:s14+$0x300] =	vst v2;
	v2 =	vsel vm15, $0x3F800000, v0  }
0x14: {  	vm5 =	veq.s32 v1, $0x5;
	[tilespmem:s14+$0x380] =	vst v2;
	v2 =	vsel vm4, $0x3F800000, v0  }
0x15: {  	vm6 =	veq.s32 v1, $0x6;
	[tilespmem:s14+$0x400] =	vst v2;
	v2 =	vsel vm5, $0x3F800000, v0  }
0x16: {  	s31 =	sor.u32 s12, s13;
	vm7 =	veq.s32 v1, $0x7;
	[tilespmem:s14+$0x480] =	vst v2;
	v2 =	vsel vm6, $0x3F800000, v0  }
0x17: {  	s15 =	sor.u32 $0x380, s31;
	vm8 =	veq.s32 v1, $0x8;
	[tilespmem:s14+$0x500] =	vst v2;
	v2 =	vsel vm7, $0x3F800000, v0  }
0x18: {  	vm9 =	veq.s32 v1, $0x9;
	[tilespmem:s15+$0x200] =	vst v2;
	v2 =	vsel vm8, $0x3F800000, v0  }
0x19: {  	vm10 =	veq.s32 v1, $0xA;
	[tilespmem:s14+$0x1200] =	vst v2;
	v2 =	vsel vm9, $0x3F800000, v0  }
0x1a: {  	vm11 =	veq.s32 v1, $0xB;
	[tilespmem:s14+$0x1280] =	vst v2;
	v2 =	vsel vm10, $0x3F800000, v0  }
0x1b: {  	vm12 =	veq.s32 v1, $0xC;
	[tilespmem:s14+$0x1300] =	vst v2;
	v2 =	vsel vm11, $0x3F800000, v0  }
0x1c: {  	vm13 =	veq.s32 v1, $0xD;
	[tilespmem:s14+$0x1380] =	vst v2;
	v2 =	vsel vm12, $0x3F800000, v0  }
0x1d: {  	vm14 =	veq.s32 v1, $0xE;
	[tilespmem:s14+$0x1400] =	vst v2;
	v2 =	vsel vm13, $0x3F800000, v0  }
0x1e: {  	vm15 =	veq.s32 v1, $0xF;
	[tilespmem:s14+$0x1480] =	vst v2;
	v2 =	vsel vm14, $0x3F800000, v0  }
0x1f: {  	vm4 =	veq.s32 v1, $0x10;
	[tilespmem:s14+$0x1500] =	vst v2;
	v2 =	vsel vm15, $0x3F800000, v0  }
0x20: {  	vm5 =	veq.s32 v1, $0x11;
	[tilespmem:s14+$0x1580] =	vst v2;
	v2 =	vsel vm4, $0x3F800000, v0  }
0x21: {  	vm6 =	veq.s32 v1, $0x12;
	[tilespmem:s14+$0x2200] =	vst v2;
	v2 =	vsel vm5, $0x3F800000, v0  }
0x22: {  	vm7 =	veq.s32 v1, $0x13;
	[tilespmem:s14+$0x2280] =	vst v2;
	v2 =	vsel vm6, $0x3F800000, v0  }
0x23: {  	vm8 =	veq.s32 v1, $0x14;
	[tilespmem:s14+$0x2300] =	vst v2;
	v2 =	vsel vm7, $0x3F800000, v0  }
0x24: {  	vm9 =	veq.s32 v1, $0x15;
	[tilespmem:s14+$0x2380] =	vst v2;
	v2 =	vsel vm8, $0x3F800000, v0  }
0x25: {  	vm10 =	veq.s32 v1, $0x16;
	[tilespmem:s14+$0x2400] =	vst v2;
	v2 =	vsel vm9, $0x3F800000, v0  }
0x26: {  	vm11 =	veq.s32 v1, $0x17;
	[tilespmem:s14+$0x2480] =	vst v2;
	v2 =	vsel vm10, $0x3F800000, v0  }
0x27: {  	vm12 =	veq.s32 v1, $0x18;
	[tilespmem:s14+$0x2500] =	vst v2;
	v2 =	vsel vm11, $0x3F800000, v0  }
0x28: {  	vm13 =	veq.s32 v1, $0x19;
	[tilespmem:s14+$0x2580] =	vst v2;
	v2 =	vsel vm12, $0x3F800000, v0  }
0x29: {  	vm14 =	veq.s32 v1, $0x1A;
	[tilespmem:s14+$0x3200] =	vst v2;
	v2 =	vsel vm13, $0x3F800000, v0  }
0x2a: {  	vm15 =	veq.s32 v1, $0x1B;
	[tilespmem:s14+$0x3280] =	vst v2;
	v2 =	vsel vm14, $0x3F800000, v0  }
0x2b: {  	vm4 =	veq.s32 v1, $0x1C;
	[tilespmem:s14+$0x3300] =	vst v2;
	v2 =	vsel vm15, $0x3F800000, v0  }
0x2c: {  	vm5 =	veq.s32 v1, $0x1D;
	[tilespmem:s14+$0x3380] =	vst v2;
	v2 =	vsel vm4, $0x3F800000, v0  }
0x2d: {  	vm6 =	veq.s32 v1, $0x1E;
	[tilespmem:s14+$0x3400] =	vst v2;
	v2 =	vsel vm5, $0x3F800000, v0  }
0x2e: {  	vm7 =	veq.s32 v1, $0x1F;
	[tilespmem:s14+$0x3480] =	vst v2;
	v2 =	vsel vm6, $0x3F800000, v0  }
0x2f: {  	vm8 =	veq.s32 v1, $0x20;
	[tilespmem:s14+$0x3500] =	vst v2;
	v2 =	vsel vm7, $0x3F800000, v0  }
0x30: {  	vm9 =	veq.s32 v1, $0x21;
	[tilespmem:s14+$0x3580] =	vst v2;
	v2 =	vsel vm8, $0x3F800000, v0  }
0x31: {  	vm10 =	veq.s32 v1, $0x22;
	[tilespmem:s14+$0x4200] =	vst v2;
	v2 =	vsel vm9, $0x3F800000, v0  }
0x32: {  	vm11 =	veq.s32 v1, $0x23;
	[tilespmem:s14+$0x4280] =	vst v2;
	v2 =	vsel vm10, $0x3F800000, v0  }
0x33: {  	vm12 =	veq.s32 v1, $0x24;
	[tilespmem:s14+$0x4300] =	vst v2;
	v2 =	vsel vm11, $0x3F800000, v0  }
0x34: {  	vm13 =	veq.s32 v1, $0x25;
	[tilespmem:s14+$0x4380] =	vst v2;
	v2 =	vsel vm12, $0x3F800000, v0  }
0x35: {  	vm14 =	veq.s32 v1, $0x26;
	[tilespmem:s14+$0x4400] =	vst v2;
	v2 =	vsel vm13, $0x3F800000, v0  }
0x36: {  	vm15 =	veq.s32 v1, $0x27;
	[tilespmem:s14+$0x4480] =	vst v2;
	v2 =	vsel vm14, $0x3F800000, v0  }
0x37: {  	vm4 =	veq.s32 v1, $0x28;
	[tilespmem:s14+$0x4500] =	vst v2;
	v2 =	vsel vm15, $0x3F800000, v0  }
0x38: {  	vm5 =	veq.s32 v1, $0x29;
	[tilespmem:s14+$0x4580] =	vst v2;
	v2 =	vsel vm4, $0x3F800000, v0  }
0x39: {  	vm6 =	veq.s32 v1, $0x2A;
	[tilespmem:s14+$0x5200] =	vst v2;
	v2 =	vsel vm5, $0x3F800000, v0  }
0x3a: {  	vm7 =	veq.s32 v1, $0x2B;
	[tilespmem:s14+$0x5280] =	vst v2;
	v2 =	vsel vm6, $0x3F800000, v0  }
0x3b: {  	vm8 =	veq.s32 v1, $0x2C;
	[tilespmem:s14+$0x5300] =	vst v2;
	v2 =	vsel vm7, $0x3F800000, v0  }
0x3c: {  	vm9 =	veq.s32 v1, $0x2D;
	[tilespmem:s14+$0x5380] =	vst v2;
	v2 =	vsel vm8, $0x3F800000, v0  }
0x3d: {  	vm10 =	veq.s32 v1, $0x2E;
	vm11 =	veq.s32 v1, $0x2F;
	[tilespmem:s14+$0x5400] =	vst v2;
	v2 =	vsel vm9, $0x3F800000, v0  }
0x3e: {  	vm12 =	veq.s32 v1, $0x30;
	vm13 =	veq.s32 v1, $0x31;
	[tilespmem:s14+$0x5480] =	vst v2;
	v2 =	vsel vm10, $0x3F800000, v0  }
0x3f: {  	vm14 =	veq.s32 v1, $0x32;
	vm15 =	veq.s32 v1, $0x33;
	[tilespmem:s14+$0x5500] =	vst v2;
	v2 =	vsel vm11, $0x3F800000, v0  }
0x40: {  	vm4 =	veq.s32 v1, $0x34;
	vm5 =	veq.s32 v1, $0x35;
	[tilespmem:s14+$0x5580] =	vst v2;
	v2 =	vsel vm12, $0x3F800000, v0  }
0x41: {  	vm6 =	veq.s32 v1, $0x36;
	vm7 =	veq.s32 v1, $0x37;
	[tilespmem:s14+$0x6200] =	vst v2;
	v2 =	vsel vm13, $0x3F800000, v0  }
0x42: {  	vm8 =	veq.s32 v1, $0x38;
	vm9 =	veq.s32 v1, $0x39;
	[tilespmem:s14+$0x6280] =	vst v2;
	v2 =	vsel vm14, $0x3F800000, v0  }
0x43: {  	vm10 =	veq.s32 v1, $0x3A;
	vm11 =	veq.s32 v1, $0x3B;
	[tilespmem:s14+$0x6300] =	vst v2;
	v2 =	vsel vm15, $0x3F800000, v0  }
0x44: {  	vm12 =	veq.s32 v1, $0x3C;
	vm15 =	veq.s32 v1, $0x3F;
	[tilespmem:s14+$0x6380] =	vst v2;
	v2 =	vsel vm4, $0x3F800000, v0  }
0x45: {  	vm13 =	veq.s32 v1, $0x3D;
	vm14 =	veq.s32 v1, $0x3E;
	v1 =	vsel vm15, $0x3F800000, v0;
	[tilespmem:s14+$0x6400] =	vst v2  }
0x46: {  	v2 =	vsel vm5, $0x3F800000, v0;
	[tilespmem:s14+$0x7580] =	vst v1  }
0x47: {  	[tilespmem:s14+$0x6480] =	vst v2;
	v2 =	vsel vm6, $0x3F800000, v0  }
0x48: {  	[tilespmem:s14+$0x6500] =	vst v2;
	v2 =	vsel vm7, $0x3F800000, v0  }
0x49: {  	[tilespmem:s14+$0x6580] =	vst v2;
	v2 =	vsel vm8, $0x3F800000, v0  }
0x4a: {  	[tilespmem:s14+$0x7200] =	vst v2;
	v2 =	vsel vm9, $0x3F800000, v0  }
0x4b: {  	p0 =	sne.s32 s13, $0x1F0;
	[tilespmem:s14+$0x7280] =	vst v2;
	v2 =	vsel vm10, $0x3F800000, v0  }
.Ltmp0:
0x4c: {  	[tilespmem:s14+$0x7300] =	vst v2;
	v2 =	vsel vm11, $0x3F800000, v0;
	(pc) =	sbr.rel @p0 .LBB2_2-.Ltmp0, $4  }
0x4d: {  	[tilespmem:s14+$0x7380] =	vst v2;
	v2 =	vsel vm12, $0x3F800000, v0  }
0x4e: {  	[tilespmem:s14+$0x7400] =	vst v2;
	v2 =	vsel vm13, $0x3F800000, v0  }
0x4f: {  	[tilespmem:s14+$0x7480] =	vst v2;
	v2 =	vsel vm14, $0x3F800000, v0  }
0x50: {  	s12 =	sadd.s32 $0x80, s12;
	s11 =	sadd.s32 $0x10, s11;
	s13 =	sadd.s32 $0x10, s13;
	[tilespmem:s14+$0x7500] =	vst v2  }
0x51: {  	s10 =	sadd.s32 $0x1, s10  }
0x52: {  	p0 =	sne.s32 s10, s5  }
.Ltmp1:
0x53: {  	_ = 	snop;
	(pc) =	sbr.rel @p0 .LBB2_1-.Ltmp1, $4  }
0x54: {  	[hbm4b:s4+s7] =	stream.strided.scatter [tilespmem:s9], [sflag:$0x1], $0x8000, s8, s7, $0x38;
	[tilespmem:$0x8200] =	vst v63  }
0x55: {  	_ =	swait.ge [sflag:s6], $0x8000  }
0x56: {  	[sflag:s6] =	ssyncset.done $0x0  }
0x57: {  	[sflag:s6] =	ssyncadd.s32 $0xFFFF8000  }
0x58: {  	_ =	sfence.sel $0x180000  }
0x59: {  	[bflag:$0x0] =	sbarrier.arrive $0xFFFF  }
0x5a: {  	p0 =	sne.s32 s1, $0x0;
	_ =	strace $0x90000047  }
0x5b: {  	s0 =	sadd.s32 @!p0 $0x100000, s0;
	[bflag:$0x2] =	sbarrier.arrive $0xFFFF  }
0x5c: {  	[sflag:s0] =	ssyncadd.tile.s32 @!p0 $0x1;
	_ =	shalt  }
.Lfunc_end2:
_tile_overlayer_lowered:
.L_overlay_start_2:
0x5d: {  	(tag) =	ssettag $0x2  }
0x5e: {  	s0 =	rddreg [dreg:$0x0];
	s2 =	stileid.u32  }
0x5f: {  	s1 =	rddreg [dreg:$0x1];
	p0 =	sne.s32 s2, $0x0  }
0x60: {  	s3 =	rddreg [dreg:$0x2];
	[bflag:$0x3] =	sbarrier.arrive $0xFFFF;
	s2 =	simm.s32 @!p0 $0x1C01  }
0x61: {  	[timem:s3], [sflag:s2] =	dma.local @!p0 [hbm:s0], s1  }
0x62: {  	s0 =	simm.s32 @!p0 $0x1  }
0x63: {  	_ =	swait.ge @!p0 [sflag:s0], s1  }
0x64: {  	s1 =	ssub.s32 @!p0 $0x0, s1;
	[sflag:s0] =	ssyncset.done @!p0 $0x0  }
0x65: {  	[sflag:s0] =	ssyncadd.s32 @!p0 s1  }
0x66: {  	[bflag:$0x3] =	sbarrier.arrive $0xFFFF  }
0x67: {  	_ =	shalt  }

</sc_bundles>
